<compile_context>
chip_gen: v7x
topology: tpu7x:2x2x1
jax: 0.10.2.dev20260603
libtpu: 0.0.44.dev20260713+nightly
codegen_flags: <defaults>
</compile_context>

<pallas_src>
import functools

import jax
import jax.numpy as jnp
from jax import lax
from jax.experimental import pallas as pl
from jax.experimental.pallas import tpu as pltpu
from jax.experimental.pallas import tpu_sc as plsc

_NC = 2
_NS = 16
_NW = _NC * _NS
_CHUNK = 16
_NBUF = 7
_LAG = 3


def _sc_copy_body(w_hbm, out_hbm, buf, isem, osem, *, rows_per_w):
    wid = lax.axis_index("s") * _NC + lax.axis_index("c")
    base = wid * rows_per_w
    n = rows_per_w // _CHUNK

    def chunk(i):
        return pl.ds(base + i * _CHUNK, _CHUNK)

    in_cp = [
        pltpu.make_async_copy(w_hbm.at[chunk(i)], buf.at[i % _NBUF], isem.at[i % _NBUF])
        for i in range(n)
    ]
    out_cp = [
        pltpu.make_async_copy(buf.at[i % _NBUF], out_hbm.at[0, chunk(i)], osem.at[i % _NBUF])
        for i in range(n)
    ]

    for i in range(min(_NBUF, n)):
        in_cp[i].start()
    for i in range(n):
        in_cp[i].wait()
        out_cp[i].start()
        if i >= _LAG:
            out_cp[i - _LAG].wait()
            j = i - _LAG + _NBUF
            if j < n:
                in_cp[j].start()
    for i in range(max(0, n - _LAG), n):
        out_cp[i].wait()


def kernel(x, W):
    del x
    rows, dim = W.shape
    rows_per_w = rows // _NW
    mesh = plsc.VectorSubcoreMesh(core_axis_name="c", subcore_axis_name="s")
    sc_copy = functools.partial(
        pl.kernel,
        mesh=mesh,
        out_type=jax.ShapeDtypeStruct((1, rows, dim), W.dtype),
        scratch_types=[
            pltpu.VMEM((_NBUF, _CHUNK, dim), W.dtype),
            pltpu.SemaphoreType.DMA((_NBUF,)),
            pltpu.SemaphoreType.DMA((_NBUF,)),
        ],
    )(functools.partial(_sc_copy_body, rows_per_w=rows_per_w))
    return sc_copy(W)

# --- scband reference (transcript-rebuilt; emitter-appended) ---
"""Pipeline reference for scband-positional-embedding-2491081031975 (READ-ONLY COPY).

The authoritative reference and input builder live on the scoring server;
editing this copy changes nothing except your own understanding.
"""

import jax, jax.numpy as jnp
import numpy as np

BLOCK_SIZE = 8192
EMBED_DIM = 1024

def setup_inputs(seed: int = 0) -> dict:
    key = jax.random.key(seed)
    k1, k2 = jax.random.split(key)
    x = jax.random.randint(k1, (4, 8192), 0, BLOCK_SIZE, dtype=jnp.int64) if jax.config.jax_enable_x64 else jax.random.randint(k1, (4, 8192), 0, BLOCK_SIZE, dtype=jnp.int32)
    W = jax.random.normal(k2, (BLOCK_SIZE, EMBED_DIM), dtype=jnp.float32)
    return {"x": x, "W": W}

def reference(x, W):
    B, T = x.shape
    positions = jnp.arange(T)[None, :]  # [1, T]
    out = jnp.take(W, positions, axis=0)  # [1, T, EMBED_DIM]
    return out

if __name__ == "__main__":
    import jax
    _d = setup_inputs()
    print(jax.jit(kernel)(*tuple(_d.values())))

</pallas_src>

<mosaic_0001>
#map = affine_map<(d0, d1) -> (0, 0)>
#map1 = affine_map<(d0, d1) -> (0, 0, 0)>
module attributes {stable_mosaic.version = 14 : i64} {
  func.func @_sc_copy_body(%arg0: i32, %arg1: i32, %arg2: memref<8192x1024xf32, #tpu.memory_space<hbm>>, %arg3: memref<1x8192x1024xf32, #tpu.memory_space<hbm>>, %arg4: memref<7x16x1024xf32, #tpu.memory_space<vmem>>, %arg5: memref<7x!tpu.dma_semaphore, #tpu.memory_space<semaphore_mem>>, %arg6: memref<7x!tpu.dma_semaphore, #tpu.memory_space<semaphore_mem>>) attributes {dimension_semantics = [#tpu.dimension_semantics<core_parallel>, #tpu.dimension_semantics<subcore_parallel>], iteration_bounds = array<i64: 2, 16>, scalar_prefetch = 0 : i64, scratch_operands = 3 : i64, tpu.core_type = #tpu.core_type<sc_vector_subcore>, window_params = [{transform_indices = #map}, {transform_indices = #map1}]} {
    %mul3A = arith.constant 2 : i32
    %mul3A_0 = arith.muli %arg1, %mul3A : i32
    %add3A = arith.addi %mul3A_0, %arg0 : i32
    %mul3A_1 = arith.constant 256 : i32
    %mul3A_2 = arith.muli %add3A, %mul3A_1 : i32
    %add3A_3 = arith.constant 0 : i32
    %add3A_4 = arith.addi %mul3A_2, %add3A_3 : i32
    %add3A_5 = arith.constant 16 : i32
    %add3A_6 = arith.addi %mul3A_2, %add3A_5 : i32
    %add3A_7 = arith.constant 32 : i32
    %add3A_8 = arith.addi %mul3A_2, %add3A_7 : i32
    %add3A_9 = arith.constant 48 : i32
    %add3A_10 = arith.addi %mul3A_2, %add3A_9 : i32
    %add3A_11 = arith.constant 64 : i32
    %add3A_12 = arith.addi %mul3A_2, %add3A_11 : i32
    %add3A_13 = arith.constant 80 : i32
    %add3A_14 = arith.addi %mul3A_2, %add3A_13 : i32
    %add3A_15 = arith.constant 96 : i32
    %add3A_16 = arith.addi %mul3A_2, %add3A_15 : i32
    %add3A_17 = arith.constant 112 : i32
    %add3A_18 = arith.addi %mul3A_2, %add3A_17 : i32
    %add3A_19 = arith.constant 128 : i32
    %add3A_20 = arith.addi %mul3A_2, %add3A_19 : i32
    %add3A_21 = arith.constant 144 : i32
    %add3A_22 = arith.addi %mul3A_2, %add3A_21 : i32
    %add3A_23 = arith.constant 160 : i32
    %add3A_24 = arith.addi %mul3A_2, %add3A_23 : i32
    %add3A_25 = arith.constant 176 : i32
    %add3A_26 = arith.addi %mul3A_2, %add3A_25 : i32
    %add3A_27 = arith.constant 192 : i32
    %add3A_28 = arith.addi %mul3A_2, %add3A_27 : i32
    %add3A_29 = arith.constant 208 : i32
    %add3A_30 = arith.addi %mul3A_2, %add3A_29 : i32
    %add3A_31 = arith.constant 224 : i32
    %add3A_32 = arith.addi %mul3A_2, %add3A_31 : i32
    %add3A_33 = arith.constant 240 : i32
    %add3A_34 = arith.addi %mul3A_2, %add3A_33 : i32
    %add3A_35 = arith.constant 0 : i32
    %add3A_36 = arith.addi %mul3A_2, %add3A_35 : i32
    %add3A_37 = arith.constant 16 : i32
    %add3A_38 = arith.addi %mul3A_2, %add3A_37 : i32
    %add3A_39 = arith.constant 32 : i32
    %add3A_40 = arith.addi %mul3A_2, %add3A_39 : i32
    %add3A_41 = arith.constant 48 : i32
    %add3A_42 = arith.addi %mul3A_2, %add3A_41 : i32
    %add3A_43 = arith.constant 64 : i32
    %add3A_44 = arith.addi %mul3A_2, %add3A_43 : i32
    %add3A_45 = arith.constant 80 : i32
    %add3A_46 = arith.addi %mul3A_2, %add3A_45 : i32
    %add3A_47 = arith.constant 96 : i32
    %add3A_48 = arith.addi %mul3A_2, %add3A_47 : i32
    %add3A_49 = arith.constant 112 : i32
    %add3A_50 = arith.addi %mul3A_2, %add3A_49 : i32
    %add3A_51 = arith.constant 128 : i32
    %add3A_52 = arith.addi %mul3A_2, %add3A_51 : i32
    %add3A_53 = arith.constant 144 : i32
    %add3A_54 = arith.addi %mul3A_2, %add3A_53 : i32
    %add3A_55 = arith.constant 160 : i32
    %add3A_56 = arith.addi %mul3A_2, %add3A_55 : i32
    %add3A_57 = arith.constant 176 : i32
    %add3A_58 = arith.addi %mul3A_2, %add3A_57 : i32
    %add3A_59 = arith.constant 192 : i32
    %add3A_60 = arith.addi %mul3A_2, %add3A_59 : i32
    %add3A_61 = arith.constant 208 : i32
    %add3A_62 = arith.addi %mul3A_2, %add3A_61 : i32
    %add3A_63 = arith.constant 224 : i32
    %add3A_64 = arith.addi %mul3A_2, %add3A_63 : i32
    %add3A_65 = arith.constant 240 : i32
    %add3A_66 = arith.addi %mul3A_2, %add3A_65 : i32
    %dma_start3A = arith.constant 0 : i32
    %dma_start3A_67 = arith.constant 0 : i32
    %dma_start3A_68 = arith.constant 0 : i32
    %dma_start3A_69 = arith.constant 0 : i32
    %dma_start3A_70 = tpu.memref_slice %arg4[%dma_start3A, %dma_start3A_68, %dma_start3A_69] : memref<7x16x1024xf32, #tpu.memory_space<vmem>> -> memref<1x16x1024xf32, #tpu.memory_space<vmem>>
    %dma_start3A_71 = tpu.memref_squeeze %dma_start3A_70 : memref<1x16x1024xf32, #tpu.memory_space<vmem>> -> memref<16x1024xf32, #tpu.memory_space<vmem>>
    %dma_start3A_72 = arith.constant 0 : i32
    %dma_start3A_73 = tpu.memref_slice %arg2[%add3A_4, %dma_start3A_72] : memref<8192x1024xf32, #tpu.memory_space<hbm>> -> memref<16x1024xf32, #tpu.memory_space<hbm>>
    %dma_start3A_74 = tpu.memref_slice %arg5[%dma_start3A_67] : memref<7x!tpu.dma_semaphore, #tpu.memory_space<semaphore_mem>> -> memref<1x!tpu.dma_semaphore, #tpu.memory_space<semaphore_mem>>
    %dma_start3A_75 = tpu.memref_squeeze %dma_start3A_74 : memref<1x!tpu.dma_semaphore, #tpu.memory_space<semaphore_mem>> -> memref<!tpu.dma_semaphore, #tpu.memory_space<semaphore_mem>>
    %dma_start3A_76 = arith.constant 0 : i32
    %dma_start3A_77 = arith.constant 0 : i32
    %dma_start3A_78 = tpu.memref_slice %arg4[%dma_start3A, %dma_start3A_76, %dma_start3A_77] : memref<7x16x1024xf32, #tpu.memory_space<vmem>> -> memref<1x16x1024xf32, #tpu.memory_space<vmem>>
    %dma_start3A_79 = tpu.memref_squeeze %dma_start3A_78 : memref<1x16x1024xf32, #tpu.memory_space<vmem>> -> memref<16x1024xf32, #tpu.memory_space<vmem>>
    %dma_start3A_80 = arith.constant 0 : i32
    %dma_start3A_81 = tpu.memref_slice %arg2[%add3A_4, %dma_start3A_80] : memref<8192x1024xf32, #tpu.memory_space<hbm>> -> memref<16x1024xf32, #tpu.memory_space<hbm>>
    tpu.enqueue_dma source(%dma_start3A_81 : memref<16x1024xf32, #tpu.memory_space<hbm>>) target(%dma_start3A_79 : memref<16x1024xf32, #tpu.memory_space<vmem>>) target_semaphore(%dma_start3A_75 : memref<!tpu.dma_semaphore, #tpu.memory_space<semaphore_mem>>)
    %dma_start3A_82 = arith.constant 1 : i32
    %dma_start3A_83 = arith.constant 1 : i32
    %dma_start3A_84 = arith.constant 0 : i32
    %dma_start3A_85 = arith.constant 0 : i32
    %dma_start3A_86 = tpu.memref_slice %arg4[%dma_start3A_82, %dma_start3A_84, %dma_start3A_85] : memref<7x16x1024xf32, #tpu.memory_space<vmem>> -> memref<1x16x1024xf32, #tpu.memory_space<vmem>>
    %dma_start3A_87 = tpu.memref_squeeze %dma_start3A_86 : memref<1x16x1024xf32, #tpu.memory_space<vmem>> -> memref<16x1024xf32, #tpu.memory_space<vmem>>
    %dma_start3A_88 = arith.constant 0 : i32
    %dma_start3A_89 = tpu.memref_slice %arg2[%add3A_6, %dma_start3A_88] : memref<8192x1024xf32, #tpu.memory_space<hbm>> -> memref<16x1024xf32, #tpu.memory_space<hbm>>
    %dma_start3A_90 = tpu.memref_slice %arg5[%dma_start3A_83] : memref<7x!tpu.dma_semaphore, #tpu.memory_space<semaphore_mem>> -> memref<1x!tpu.dma_semaphore, #tpu.memory_space<semaphore_mem>>
    %dma_start3A_91 = tpu.memref_squeeze %dma_start3A_90 : memref<1x!tpu.dma_semaphore, #tpu.memory_space<semaphore_mem>> -> memref<!tpu.dma_semaphore, #tpu.memory_space<semaphore_mem>>
    %dma_start3A_92 = arith.constant 0 : i32
    %dma_start3A_93 = arith.constant 0 : i32
    %dma_start3A_94 = tpu.memref_slice %arg4[%dma_start3A_82, %dma_start3A_92, %dma_start3A_93] : memref<7x16x1024xf32, #tpu.memory_space<vmem>> -> memref<1x16x1024xf32, #tpu.memory_space<vmem>>
    %dma_start3A_95 = tpu.memref_squeeze %dma_start3A_94 : memref<1x16x1024xf32, #tpu.memory_space<vmem>> -> memref<16x1024xf32, #tpu.memory_space<vmem>>
    %dma_start3A_96 = arith.constant 0 : i32
    %dma_start3A_97 = tpu.memref_slice %arg2[%add3A_6, %dma_start3A_96] : memref<8192x1024xf32, #tpu.memory_space<hbm>> -> memref<16x1024xf32, #tpu.memory_space<hbm>>
    tpu.enqueue_dma source(%dma_start3A_97 : memref<16x1024xf32, #tpu.memory_space<hbm>>) target(%dma_start3A_95 : memref<16x1024xf32, #tpu.memory_space<vmem>>) target_semaphore(%dma_start3A_91 : memref<!tpu.dma_semaphore, #tpu.memory_space<semaphore_mem>>)
    %dma_start3A_98 = arith.constant 2 : i32
    %dma_start3A_99 = arith.constant 2 : i32
    %dma_start3A_100 = arith.constant 0 : i32
    %dma_start3A_101 = arith.constant 0 : i32
    %dma_start3A_102 = tpu.memref_slice %arg4[%dma_start3A_98, %dma_start3A_100, %dma_start3A_101] : memref<7x16x1024xf32, #tpu.memory_space<vmem>> -> memref<1x16x1024xf32, #tpu.memory_space<vmem>>
    %dma_start3A_103 = tpu.memref_squeeze %dma_start3A_102 : memref<1x16x1024xf32, #tpu.memory_space<vmem>> -> memref<16x1024xf32, #tpu.memory_space<vmem>>
    %dma_start3A_104 = arith.constant 0 : i32
    %dma_start3A_105 = tpu.memref_slice %arg2[%add3A_8, %dma_start3A_104] : memref<8192x1024xf32, #tpu.memory_space<hbm>> -> memref<16x1024xf32, #tpu.memory_space<hbm>>
    %dma_start3A_106 = tpu.memref_slice %arg5[%dma_start3A_99] : memref<7x!tpu.dma_semaphore, #tpu.memory_space<semaphore_mem>> -> memref<1x!tpu.dma_semaphore, #tpu.memory_space<semaphore_mem>>
    %dma_start3A_107 = tpu.memref_squeeze %dma_start3A_106 : memref<1x!tpu.dma_semaphore, #tpu.memory_space<semaphore_mem>> -> memref<!tpu.dma_semaphore, #tpu.memory_space<semaphore_mem>>
    %dma_start3A_108 = arith.constant 0 : i32
    %dma_start3A_109 = arith.constant 0 : i32
    %dma_start3A_110 = tpu.memref_slice %arg4[%dma_start3A_98, %dma_start3A_108, %dma_start3A_109] : memref<7x16x1024xf32, #tpu.memory_space<vmem>> -> memref<1x16x1024xf32, #tpu.memory_space<vmem>>
    %dma_start3A_111 = tpu.memref_squeeze %dma_start3A_110 : memref<1x16x1024xf32, #tpu.memory_space<vmem>> -> memref<16x1024xf32, #tpu.memory_space<vmem>>
    %dma_start3A_112 = arith.constant 0 : i32
    %dma_start3A_113 = tpu.memref_slice %arg2[%add3A_8, %dma_start3A_112] : memref<8192x1024xf32, #tpu.memory_space<hbm>> -> memref<16x1024xf32, #tpu.memory_space<hbm>>
    tpu.enqueue_dma source(%dma_start3A_113 : memref<16x1024xf32, #tpu.memory_space<hbm>>) target(%dma_start3A_111 : memref<16x1024xf32, #tpu.memory_space<vmem>>) target_semaphore(%dma_start3A_107 : memref<!tpu.dma_semaphore, #tpu.memory_space<semaphore_mem>>)
    %dma_start3A_114 = arith.constant 3 : i32
    %dma_start3A_115 = arith.constant 3 : i32
    %dma_start3A_116 = arith.constant 0 : i32
    %dma_start3A_117 = arith.constant 0 : i32
    %dma_start3A_118 = tpu.memref_slice %arg4[%dma_start3A_114, %dma_start3A_116, %dma_start3A_117] : memref<7x16x1024xf32, #tpu.memory_space<vmem>> -> memref<1x16x1024xf32, #tpu.memory_space<vmem>>
    %dma_start3A_119 = tpu.memref_squeeze %dma_start3A_118 : memref<1x16x1024xf32, #tpu.memory_space<vmem>> -> memref<16x1024xf32, #tpu.memory_space<vmem>>
    %dma_start3A_120 = arith.constant 0 : i32
    %dma_start3A_121 = tpu.memref_slice %arg2[%add3A_10, %dma_start3A_120] : memref<8192x1024xf32, #tpu.memory_space<hbm>> -> memref<16x1024xf32, #tpu.memory_space<hbm>>
    %dma_start3A_122 = tpu.memref_slice %arg5[%dma_start3A_115] : memref<7x!tpu.dma_semaphore, #tpu.memory_space<semaphore_mem>> -> memref<1x!tpu.dma_semaphore, #tpu.memory_space<semaphore_mem>>
    %dma_start3A_123 = tpu.memref_squeeze %dma_start3A_122 : memref<1x!tpu.dma_semaphore, #tpu.memory_space<semaphore_mem>> -> memref<!tpu.dma_semaphore, #tpu.memory_space<semaphore_mem>>
    %dma_start3A_124 = arith.constant 0 : i32
    %dma_start3A_125 = arith.constant 0 : i32
    %dma_start3A_126 = tpu.memref_slice %arg4[%dma_start3A_114, %dma_start3A_124, %dma_start3A_125] : memref<7x16x1024xf32, #tpu.memory_space<vmem>> -> memref<1x16x1024xf32, #tpu.memory_space<vmem>>
    %dma_start3A_127 = tpu.memref_squeeze %dma_start3A_126 : memref<1x16x1024xf32, #tpu.memory_space<vmem>> -> memref<16x1024xf32, #tpu.memory_space<vmem>>
    %dma_start3A_128 = arith.constant 0 : i32
    %dma_start3A_129 = tpu.memref_slice %arg2[%add3A_10, %dma_start3A_128] : memref<8192x1024xf32, #tpu.memory_space<hbm>> -> memref<16x1024xf32, #tpu.memory_space<hbm>>
    tpu.enqueue_dma source(%dma_start3A_129 : memref<16x1024xf32, #tpu.memory_space<hbm>>) target(%dma_start3A_127 : memref<16x1024xf32, #tpu.memory_space<vmem>>) target_semaphore(%dma_start3A_123 : memref<!tpu.dma_semaphore, #tpu.memory_space<semaphore_mem>>)
    %dma_start3A_130 = arith.constant 4 : i32
    %dma_start3A_131 = arith.constant 4 : i32
    %dma_start3A_132 = arith.constant 0 : i32
    %dma_start3A_133 = arith.constant 0 : i32
    %dma_start3A_134 = tpu.memref_slice %arg4[%dma_start3A_130, %dma_start3A_132, %dma_start3A_133] : memref<7x16x1024xf32, #tpu.memory_space<vmem>> -> memref<1x16x1024xf32, #tpu.memory_space<vmem>>
    %dma_start3A_135 = tpu.memref_squeeze %dma_start3A_134 : memref<1x16x1024xf32, #tpu.memory_space<vmem>> -> memref<16x1024xf32, #tpu.memory_space<vmem>>
    %dma_start3A_136 = arith.constant 0 : i32
    %dma_start3A_137 = tpu.memref_slice %arg2[%add3A_12, %dma_start3A_136] : memref<8192x1024xf32, #tpu.memory_space<hbm>> -> memref<16x1024xf32, #tpu.memory_space<hbm>>
    %dma_start3A_138 = tpu.memref_slice %arg5[%dma_start3A_131] : memref<7x!tpu.dma_semaphore, #tpu.memory_space<semaphore_mem>> -> memref<1x!tpu.dma_semaphore, #tpu.memory_space<semaphore_mem>>
    %dma_start3A_139 = tpu.memref_squeeze %dma_start3A_138 : memref<1x!tpu.dma_semaphore, #tpu.memory_space<semaphore_mem>> -> memref<!tpu.dma_semaphore, #tpu.memory_space<semaphore_mem>>
    %dma_start3A_140 = arith.constant 0 : i32
    %dma_start3A_141 = arith.constant 0 : i32
    %dma_start3A_142 = tpu.memref_slice %arg4[%dma_start3A_130, %dma_start3A_140, %dma_start3A_141] : memref<7x16x1024xf32, #tpu.memory_space<vmem>> -> memref<1x16x1024xf32, #tpu.memory_space<vmem>>
    %dma_start3A_143 = tpu.memref_squeeze %dma_start3A_142 : memref<1x16x1024xf32, #tpu.memory_space<vmem>> -> memref<16x1024xf32, #tpu.memory_space<vmem>>
    %dma_start3A_144 = arith.constant 0 : i32
    %dma_start3A_145 = tpu.memref_slice %arg2[%add3A_12, %dma_start3A_144] : memref<8192x1024xf32, #tpu.memory_space<hbm>> -> memref<16x1024xf32, #tpu.memory_space<hbm>>
    tpu.enqueue_dma source(%dma_start3A_145 : memref<16x1024xf32, #tpu.memory_space<hbm>>) target(%dma_start3A_143 : memref<16x1024xf32, #tpu.memory_space<vmem>>) target_semaphore(%dma_start3A_139 : memref<!tpu.dma_semaphore, #tpu.memory_space<semaphore_mem>>)
    %dma_start3A_146 = arith.constant 5 : i32
    %dma_start3A_147 = arith.constant 5 : i32
    %dma_start3A_148 = arith.constant 0 : i32
    %dma_start3A_149 = arith.constant 0 : i32
    %dma_start3A_150 = tpu.memref_slice %arg4[%dma_start3A_146, %dma_start3A_148, %dma_start3A_149] : memref<7x16x1024xf32, #tpu.memory_space<vmem>> -> memref<1x16x1024xf32, #tpu.memory_space<vmem>>
    %dma_start3A_151 = tpu.memref_squeeze %dma_start3A_150 : memref<1x16x1024xf32, #tpu.memory_space<vmem>> -> memref<16x1024xf32, #tpu.memory_space<vmem>>
    %dma_start3A_152 = arith.constant 0 : i32
    %dma_start3A_153 = tpu.memref_slice %arg2[%add3A_14, %dma_start3A_152] : memref<8192x1024xf32, #tpu.memory_space<hbm>> -> memref<16x1024xf32, #tpu.memory_space<hbm>>
    %dma_start3A_154 = tpu.memref_slice %arg5[%dma_start3A_147] : memref<7x!tpu.dma_semaphore, #tpu.memory_space<semaphore_mem>> -> memref<1x!tpu.dma_semaphore, #tpu.memory_space<semaphore_mem>>
    %dma_start3A_155 = tpu.memref_squeeze %dma_start3A_154 : memref<1x!tpu.dma_semaphore, #tpu.memory_space<semaphore_mem>> -> memref<!tpu.dma_semaphore, #tpu.memory_space<semaphore_mem>>
    %dma_start3A_156 = arith.constant 0 : i32
    %dma_start3A_157 = arith.constant 0 : i32
    %dma_start3A_158 = tpu.memref_slice %arg4[%dma_start3A_146, %dma_start3A_156, %dma_start3A_157] : memref<7x16x1024xf32, #tpu.memory_space<vmem>> -> memref<1x16x1024xf32, #tpu.memory_space<vmem>>
    %dma_start3A_159 = tpu.memref_squeeze %dma_start3A_158 : memref<1x16x1024xf32, #tpu.memory_space<vmem>> -> memref<16x1024xf32, #tpu.memory_space<vmem>>
    %dma_start3A_160 = arith.constant 0 : i32
    %dma_start3A_161 = tpu.memref_slice %arg2[%add3A_14, %dma_start3A_160] : memref<8192x1024xf32, #tpu.memory_space<hbm>> -> memref<16x1024xf32, #tpu.memory_space<hbm>>
    tpu.enqueue_dma source(%dma_start3A_161 : memref<16x1024xf32, #tpu.memory_space<hbm>>) target(%dma_start3A_159 : memref<16x1024xf32, #tpu.memory_space<vmem>>) target_semaphore(%dma_start3A_155 : memref<!tpu.dma_semaphore, #tpu.memory_space<semaphore_mem>>)
    %dma_start3A_162 = arith.constant 6 : i32
    %dma_start3A_163 = arith.constant 6 : i32
    %dma_start3A_164 = arith.constant 0 : i32
    %dma_start3A_165 = arith.constant 0 : i32
    %dma_start3A_166 = tpu.memref_slice %arg4[%dma_start3A_162, %dma_start3A_164, %dma_start3A_165] : memref<7x16x1024xf32, #tpu.memory_space<vmem>> -> memref<1x16x1024xf32, #tpu.memory_space<vmem>>
    %dma_start3A_167 = tpu.memref_squeeze %dma_start3A_166 : memref<1x16x1024xf32, #tpu.memory_space<vmem>> -> memref<16x1024xf32, #tpu.memory_space<vmem>>
    %dma_start3A_168 = arith.constant 0 : i32
    %dma_start3A_169 = tpu.memref_slice %arg2[%add3A_16, %dma_start3A_168] : memref<8192x1024xf32, #tpu.memory_space<hbm>> -> memref<16x1024xf32, #tpu.memory_space<hbm>>
    %dma_start3A_170 = tpu.memref_slice %arg5[%dma_start3A_163] : memref<7x!tpu.dma_semaphore, #tpu.memory_space<semaphore_mem>> -> memref<1x!tpu.dma_semaphore, #tpu.memory_space<semaphore_mem>>
    %dma_start3A_171 = tpu.memref_squeeze %dma_start3A_170 : memref<1x!tpu.dma_semaphore, #tpu.memory_space<semaphore_mem>> -> memref<!tpu.dma_semaphore, #tpu.memory_space<semaphore_mem>>
    %dma_start3A_172 = arith.constant 0 : i32
    %dma_start3A_173 = arith.constant 0 : i32
    %dma_start3A_174 = tpu.memref_slice %arg4[%dma_start3A_162, %dma_start3A_172, %dma_start3A_173] : memref<7x16x1024xf32, #tpu.memory_space<vmem>> -> memref<1x16x1024xf32, #tpu.memory_space<vmem>>
    %dma_start3A_175 = tpu.memref_squeeze %dma_start3A_174 : memref<1x16x1024xf32, #tpu.memory_space<vmem>> -> memref<16x1024xf32, #tpu.memory_space<vmem>>
    %dma_start3A_176 = arith.constant 0 : i32
    %dma_start3A_177 = tpu.memref_slice %arg2[%add3A_16, %dma_start3A_176] : memref<8192x1024xf32, #tpu.memory_space<hbm>> -> memref<16x1024xf32, #tpu.memory_space<hbm>>
    tpu.enqueue_dma source(%dma_start3A_177 : memref<16x1024xf32, #tpu.memory_space<hbm>>) target(%dma_start3A_175 : memref<16x1024xf32, #tpu.memory_space<vmem>>) target_semaphore(%dma_start3A_171 : memref<!tpu.dma_semaphore, #tpu.memory_space<semaphore_mem>>)
    %dma_wait3A = arith.constant 0 : i32
    %dma_wait3A_178 = arith.constant 0 : i32
    %dma_wait3A_179 = arith.constant 0 : i32
    %dma_wait3A_180 = arith.constant 0 : i32
    %dma_wait3A_181 = tpu.memref_slice %arg4[%dma_wait3A, %dma_wait3A_179, %dma_wait3A_180] : memref<7x16x1024xf32, #tpu.memory_space<vmem>> -> memref<1x16x1024xf32, #tpu.memory_space<vmem>>
    %dma_wait3A_182 = tpu.memref_squeeze %dma_wait3A_181 : memref<1x16x1024xf32, #tpu.memory_space<vmem>> -> memref<16x1024xf32, #tpu.memory_space<vmem>>
    %dma_wait3A_183 = arith.constant 0 : i32
    %dma_wait3A_184 = tpu.memref_slice %arg2[%add3A_4, %dma_wait3A_183] : memref<8192x1024xf32, #tpu.memory_space<hbm>> -> memref<16x1024xf32, #tpu.memory_space<hbm>>
    %dma_wait3A_185 = tpu.memref_slice %arg5[%dma_wait3A_178] : memref<7x!tpu.dma_semaphore, #tpu.memory_space<semaphore_mem>> -> memref<1x!tpu.dma_semaphore, #tpu.memory_space<semaphore_mem>>
    %dma_wait3A_186 = tpu.memref_squeeze %dma_wait3A_185 : memref<1x!tpu.dma_semaphore, #tpu.memory_space<semaphore_mem>> -> memref<!tpu.dma_semaphore, #tpu.memory_space<semaphore_mem>>
    %dma_wait3A_187 = arith.constant 0 : i32
    %dma_wait3A_188 = arith.constant 0 : i32
    %dma_wait3A_189 = tpu.memref_slice %arg4[%dma_wait3A, %dma_wait3A_187, %dma_wait3A_188] : memref<7x16x1024xf32, #tpu.memory_space<vmem>> -> memref<1x16x1024xf32, #tpu.memory_space<vmem>>
    %dma_wait3A_190 = tpu.memref_squeeze %dma_wait3A_189 : memref<1x16x1024xf32, #tpu.memory_space<vmem>> -> memref<16x1024xf32, #tpu.memory_space<vmem>>
    %dma_wait3A_191 = arith.constant 0 : i32
    %dma_wait3A_192 = tpu.memref_slice %arg2[%add3A_4, %dma_wait3A_191] : memref<8192x1024xf32, #tpu.memory_space<hbm>> -> memref<16x1024xf32, #tpu.memory_space<hbm>>
    tpu.wait_dma2 semaphore(%dma_wait3A_186 : memref<!tpu.dma_semaphore, #tpu.memory_space<semaphore_mem>>) src(%dma_wait3A_192 : memref<16x1024xf32, #tpu.memory_space<hbm>>) dst(%dma_wait3A_190 : memref<16x1024xf32, #tpu.memory_space<vmem>>)
    %dma_start3A_193 = arith.constant 0 : i32
    %dma_start3A_194 = arith.constant 0 : i32
    %dma_start3A_195 = arith.constant 0 : i32
    %dma_start3A_196 = arith.constant 0 : i32
    %dma_start3A_197 = arith.constant 0 : i32
    %dma_start3A_198 = tpu.memref_slice %arg4[%dma_start3A_193, %dma_start3A_196, %dma_start3A_197] : memref<7x16x1024xf32, #tpu.memory_space<vmem>> -> memref<1x16x1024xf32, #tpu.memory_space<vmem>>
    %dma_start3A_199 = tpu.memref_squeeze %dma_start3A_198 : memref<1x16x1024xf32, #tpu.memory_space<vmem>> -> memref<16x1024xf32, #tpu.memory_space<vmem>>
    %dma_start3A_200 = arith.constant 0 : i32
    %dma_start3A_201 = tpu.memref_slice %arg3[%dma_start3A_194, %add3A_36, %dma_start3A_200] : memref<1x8192x1024xf32, #tpu.memory_space<hbm>> -> memref<1x16x1024xf32, #tpu.memory_space<hbm>>
    %dma_start3A_202 = tpu.memref_squeeze %dma_start3A_201 : memref<1x16x1024xf32, #tpu.memory_space<hbm>> -> memref<16x1024xf32, #tpu.memory_space<hbm>>
    %dma_start3A_203 = tpu.memref_slice %arg6[%dma_start3A_195] : memref<7x!tpu.dma_semaphore, #tpu.memory_space<semaphore_mem>> -> memref<1x!tpu.dma_semaphore, #tpu.memory_space<semaphore_mem>>
    %dma_start3A_204 = tpu.memref_squeeze %dma_start3A_203 : memref<1x!tpu.dma_semaphore, #tpu.memory_space<semaphore_mem>> -> memref<!tpu.dma_semaphore, #tpu.memory_space<semaphore_mem>>
    %dma_start3A_205 = arith.constant 0 : i32
    %dma_start3A_206 = tpu.memref_slice %arg3[%dma_start3A_194, %add3A_36, %dma_start3A_205] : memref<1x8192x1024xf32, #tpu.memory_space<hbm>> -> memref<1x16x1024xf32, #tpu.memory_space<hbm>>
    %dma_start3A_207 = tpu.memref_squeeze %dma_start3A_206 : memref<1x16x1024xf32, #tpu.memory_space<hbm>> -> memref<16x1024xf32, #tpu.memory_space<hbm>>
    %dma_start3A_208 = arith.constant 0 : i32
    %dma_start3A_209 = arith.constant 0 : i32
    %dma_start3A_210 = tpu.memref_slice %arg4[%dma_start3A_193, %dma_start3A_208, %dma_start3A_209] : memref<7x16x1024xf32, #tpu.memory_space<vmem>> -> memref<1x16x1024xf32, #tpu.memory_space<vmem>>
    %dma_start3A_211 = tpu.memref_squeeze %dma_start3A_210 : memref<1x16x1024xf32, #tpu.memory_space<vmem>> -> memref<16x1024xf32, #tpu.memory_space<vmem>>
    tpu.enqueue_dma source(%dma_start3A_211 : memref<16x1024xf32, #tpu.memory_space<vmem>>) target(%dma_start3A_207 : memref<16x1024xf32, #tpu.memory_space<hbm>>) target_semaphore(%dma_start3A_204 : memref<!tpu.dma_semaphore, #tpu.memory_space<semaphore_mem>>)
    %dma_wait3A_212 = arith.constant 1 : i32
    %dma_wait3A_213 = arith.constant 1 : i32
    %dma_wait3A_214 = arith.constant 0 : i32
    %dma_wait3A_215 = arith.constant 0 : i32
    %dma_wait3A_216 = tpu.memref_slice %arg4[%dma_wait3A_212, %dma_wait3A_214, %dma_wait3A_215] : memref<7x16x1024xf32, #tpu.memory_space<vmem>> -> memref<1x16x1024xf32, #tpu.memory_space<vmem>>
    %dma_wait3A_217 = tpu.memref_squeeze %dma_wait3A_216 : memref<1x16x1024xf32, #tpu.memory_space<vmem>> -> memref<16x1024xf32, #tpu.memory_space<vmem>>
    %dma_wait3A_218 = arith.constant 0 : i32
    %dma_wait3A_219 = tpu.memref_slice %arg2[%add3A_6, %dma_wait3A_218] : memref<8192x1024xf32, #tpu.memory_space<hbm>> -> memref<16x1024xf32, #tpu.memory_space<hbm>>
    %dma_wait3A_220 = tpu.memref_slice %arg5[%dma_wait3A_213] : memref<7x!tpu.dma_semaphore, #tpu.memory_space<semaphore_mem>> -> memref<1x!tpu.dma_semaphore, #tpu.memory_space<semaphore_mem>>
    %dma_wait3A_221 = tpu.memref_squeeze %dma_wait3A_220 : memref<1x!tpu.dma_semaphore, #tpu.memory_space<semaphore_mem>> -> memref<!tpu.dma_semaphore, #tpu.memory_space<semaphore_mem>>
    %dma_wait3A_222 = arith.constant 0 : i32
    %dma_wait3A_223 = arith.constant 0 : i32
    %dma_wait3A_224 = tpu.memref_slice %arg4[%dma_wait3A_212, %dma_wait3A_222, %dma_wait3A_223] : memref<7x16x1024xf32, #tpu.memory_space<vmem>> -> memref<1x16x1024xf32, #tpu.memory_space<vmem>>
    %dma_wait3A_225 = tpu.memref_squeeze %dma_wait3A_224 : memref<1x16x1024xf32, #tpu.memory_space<vmem>> -> memref<16x1024xf32, #tpu.memory_space<vmem>>
    %dma_wait3A_226 = arith.constant 0 : i32
    %dma_wait3A_227 = tpu.memref_slice %arg2[%add3A_6, %dma_wait3A_226] : memref<8192x1024xf32, #tpu.memory_space<hbm>> -> memref<16x1024xf32, #tpu.memory_space<hbm>>
    tpu.wait_dma2 semaphore(%dma_wait3A_221 : memref<!tpu.dma_semaphore, #tpu.memory_space<semaphore_mem>>) src(%dma_wait3A_227 : memref<16x1024xf32, #tpu.memory_space<hbm>>) dst(%dma_wait3A_225 : memref<16x1024xf32, #tpu.memory_space<vmem>>)
    %dma_start3A_228 = arith.constant 1 : i32
    %dma_start3A_229 = arith.constant 0 : i32
    %dma_start3A_230 = arith.constant 1 : i32
    %dma_start3A_231 = arith.constant 0 : i32
    %dma_start3A_232 = arith.constant 0 : i32
    %dma_start3A_233 = tpu.memref_slice %arg4[%dma_start3A_228, %dma_start3A_231, %dma_start3A_232] : memref<7x16x1024xf32, #tpu.memory_space<vmem>> -> memref<1x16x1024xf32, #tpu.memory_space<vmem>>
    %dma_start3A_234 = tpu.memref_squeeze %dma_start3A_233 : memref<1x16x1024xf32, #tpu.memory_space<vmem>> -> memref<16x1024xf32, #tpu.memory_space<vmem>>
    %dma_start3A_235 = arith.constant 0 : i32
    %dma_start3A_236 = tpu.memref_slice %arg3[%dma_start3A_229, %add3A_38, %dma_start3A_235] : memref<1x8192x1024xf32, #tpu.memory_space<hbm>> -> memref<1x16x1024xf32, #tpu.memory_space<hbm>>
    %dma_start3A_237 = tpu.memref_squeeze %dma_start3A_236 : memref<1x16x1024xf32, #tpu.memory_space<hbm>> -> memref<16x1024xf32, #tpu.memory_space<hbm>>
    %dma_start3A_238 = tpu.memref_slice %arg6[%dma_start3A_230] : memref<7x!tpu.dma_semaphore, #tpu.memory_space<semaphore_mem>> -> memref<1x!tpu.dma_semaphore, #tpu.memory_space<semaphore_mem>>
    %dma_start3A_239 = tpu.memref_squeeze %dma_start3A_238 : memref<1x!tpu.dma_semaphore, #tpu.memory_space<semaphore_mem>> -> memref<!tpu.dma_semaphore, #tpu.memory_space<semaphore_mem>>
    %dma_start3A_240 = arith.constant 0 : i32
    %dma_start3A_241 = tpu.memref_slice %arg3[%dma_start3A_229, %add3A_38, %dma_start3A_240] : memref<1x8192x1024xf32, #tpu.memory_space<hbm>> -> memref<1x16x1024xf32, #tpu.memory_space<hbm>>
    %dma_start3A_242 = tpu.memref_squeeze %dma_start3A_241 : memref<1x16x1024xf32, #tpu.memory_space<hbm>> -> memref<16x1024xf32, #tpu.memory_space<hbm>>
    %dma_start3A_243 = arith.constant 0 : i32
    %dma_start3A_244 = arith.constant 0 : i32
    %dma_start3A_245 = tpu.memref_slice %arg4[%dma_start3A_228, %dma_start3A_243, %dma_start3A_244] : memref<7x16x1024xf32, #tpu.memory_space<vmem>> -> memref<1x16x1024xf32, #tpu.memory_space<vmem>>
    %dma_start3A_246 = tpu.memref_squeeze %dma_start3A_245 : memref<1x16x1024xf32, #tpu.memory_space<vmem>> -> memref<16x1024xf32, #tpu.memory_space<vmem>>
    tpu.enqueue_dma source(%dma_start3A_246 : memref<16x1024xf32, #tpu.memory_space<vmem>>) target(%dma_start3A_242 : memref<16x1024xf32, #tpu.memory_space<hbm>>) target_semaphore(%dma_start3A_239 : memref<!tpu.dma_semaphore, #tpu.memory_space<semaphore_mem>>)
    %dma_wait3A_247 = arith.constant 2 : i32
    %dma_wait3A_248 = arith.constant 2 : i32
    %dma_wait3A_249 = arith.constant 0 : i32
    %dma_wait3A_250 = arith.constant 0 : i32
    %dma_wait3A_251 = tpu.memref_slice %arg4[%dma_wait3A_247, %dma_wait3A_249, %dma_wait3A_250] : memref<7x16x1024xf32, #tpu.memory_space<vmem>> -> memref<1x16x1024xf32, #tpu.memory_space<vmem>>
    %dma_wait3A_252 = tpu.memref_squeeze %dma_wait3A_251 : memref<1x16x1024xf32, #tpu.memory_space<vmem>> -> memref<16x1024xf32, #tpu.memory_space<vmem>>
    %dma_wait3A_253 = arith.constant 0 : i32
    %dma_wait3A_254 = tpu.memref_slice %arg2[%add3A_8, %dma_wait3A_253] : memref<8192x1024xf32, #tpu.memory_space<hbm>> -> memref<16x1024xf32, #tpu.memory_space<hbm>>
    %dma_wait3A_255 = tpu.memref_slice %arg5[%dma_wait3A_248] : memref<7x!tpu.dma_semaphore, #tpu.memory_space<semaphore_mem>> -> memref<1x!tpu.dma_semaphore, #tpu.memory_space<semaphore_mem>>
    %dma_wait3A_256 = tpu.memref_squeeze %dma_wait3A_255 : memref<1x!tpu.dma_semaphore, #tpu.memory_space<semaphore_mem>> -> memref<!tpu.dma_semaphore, #tpu.memory_space<semaphore_mem>>
    %dma_wait3A_257 = arith.constant 0 : i32
    %dma_wait3A_258 = arith.constant 0 : i32
    %dma_wait3A_259 = tpu.memref_slice %arg4[%dma_wait3A_247, %dma_wait3A_257, %dma_wait3A_258] : memref<7x16x1024xf32, #tpu.memory_space<vmem>> -> memref<1x16x1024xf32, #tpu.memory_space<vmem>>
    %dma_wait3A_260 = tpu.memref_squeeze %dma_wait3A_259 : memref<1x16x1024xf32, #tpu.memory_space<vmem>> -> memref<16x1024xf32, #tpu.memory_space<vmem>>
    %dma_wait3A_261 = arith.constant 0 : i32
    %dma_wait3A_262 = tpu.memref_slice %arg2[%add3A_8, %dma_wait3A_261] : memref<8192x1024xf32, #tpu.memory_space<hbm>> -> memref<16x1024xf32, #tpu.memory_space<hbm>>
    tpu.wait_dma2 semaphore(%dma_wait3A_256 : memref<!tpu.dma_semaphore, #tpu.memory_space<semaphore_mem>>) src(%dma_wait3A_262 : memref<16x1024xf32, #tpu.memory_space<hbm>>) dst(%dma_wait3A_260 : memref<16x1024xf32, #tpu.memory_space<vmem>>)
    %dma_start3A_263 = arith.constant 2 : i32
    %dma_start3A_264 = arith.constant 0 : i32
    %dma_start3A_265 = arith.constant 2 : i32
    %dma_start3A_266 = arith.constant 0 : i32
    %dma_start3A_267 = arith.constant 0 : i32
    %dma_start3A_268 = tpu.memref_slice %arg4[%dma_start3A_263, %dma_start3A_266, %dma_start3A_267] : memref<7x16x1024xf32, #tpu.memory_space<vmem>> -> memref<1x16x1024xf32, #tpu.memory_space<vmem>>
    %dma_start3A_269 = tpu.memref_squeeze %dma_start3A_268 : memref<1x16x1024xf32, #tpu.memory_space<vmem>> -> memref<16x1024xf32, #tpu.memory_space<vmem>>
    %dma_start3A_270 = arith.constant 0 : i32
    %dma_start3A_271 = tpu.memref_slice %arg3[%dma_start3A_264, %add3A_40, %dma_start3A_270] : memref<1x8192x1024xf32, #tpu.memory_space<hbm>> -> memref<1x16x1024xf32, #tpu.memory_space<hbm>>
    %dma_start3A_272 = tpu.memref_squeeze %dma_start3A_271 : memref<1x16x1024xf32, #tpu.memory_space<hbm>> -> memref<16x1024xf32, #tpu.memory_space<hbm>>
    %dma_start3A_273 = tpu.memref_slice %arg6[%dma_start3A_265] : memref<7x!tpu.dma_semaphore, #tpu.memory_space<semaphore_mem>> -> memref<1x!tpu.dma_semaphore, #tpu.memory_space<semaphore_mem>>
    %dma_start3A_274 = tpu.memref_squeeze %dma_start3A_273 : memref<1x!tpu.dma_semaphore, #tpu.memory_space<semaphore_mem>> -> memref<!tpu.dma_semaphore, #tpu.memory_space<semaphore_mem>>
    %dma_start3A_275 = arith.constant 0 : i32
    %dma_start3A_276 = tpu.memref_slice %arg3[%dma_start3A_264, %add3A_40, %dma_start3A_275] : memref<1x8192x1024xf32, #tpu.memory_space<hbm>> -> memref<1x16x1024xf32, #tpu.memory_space<hbm>>
    %dma_start3A_277 = tpu.memref_squeeze %dma_start3A_276 : memref<1x16x1024xf32, #tpu.memory_space<hbm>> -> memref<16x1024xf32, #tpu.memory_space<hbm>>
    %dma_start3A_278 = arith.constant 0 : i32
    %dma_start3A_279 = arith.constant 0 : i32
    %dma_start3A_280 = tpu.memref_slice %arg4[%dma_start3A_263, %dma_start3A_278, %dma_start3A_279] : memref<7x16x1024xf32, #tpu.memory_space<vmem>> -> memref<1x16x1024xf32, #tpu.memory_space<vmem>>
    %dma_start3A_281 = tpu.memref_squeeze %dma_start3A_280 : memref<1x16x1024xf32, #tpu.memory_space<vmem>> -> memref<16x1024xf32, #tpu.memory_space<vmem>>
    tpu.enqueue_dma source(%dma_start3A_281 : memref<16x1024xf32, #tpu.memory_space<vmem>>) target(%dma_start3A_277 : memref<16x1024xf32, #tpu.memory_space<hbm>>) target_semaphore(%dma_start3A_274 : memref<!tpu.dma_semaphore, #tpu.memory_space<semaphore_mem>>)
    %dma_wait3A_282 = arith.constant 3 : i32
    %dma_wait3A_283 = arith.constant 3 : i32
    %dma_wait3A_284 = arith.constant 0 : i32
    %dma_wait3A_285 = arith.constant 0 : i32
    %dma_wait3A_286 = tpu.memref_slice %arg4[%dma_wait3A_282, %dma_wait3A_284, %dma_wait3A_285] : memref<7x16x1024xf32, #tpu.memory_space<vmem>> -> memref<1x16x1024xf32, #tpu.memory_space<vmem>>
    %dma_wait3A_287 = tpu.memref_squeeze %dma_wait3A_286 : memref<1x16x1024xf32, #tpu.memory_space<vmem>> -> memref<16x1024xf32, #tpu.memory_space<vmem>>
    %dma_wait3A_288 = arith.constant 0 : i32
    %dma_wait3A_289 = tpu.memref_slice %arg2[%add3A_10, %dma_wait3A_288] : memref<8192x1024xf32, #tpu.memory_space<hbm>> -> memref<16x1024xf32, #tpu.memory_space<hbm>>
    %dma_wait3A_290 = tpu.memref_slice %arg5[%dma_wait3A_283] : memref<7x!tpu.dma_semaphore, #tpu.memory_space<semaphore_mem>> -> memref<1x!tpu.dma_semaphore, #tpu.memory_space<semaphore_mem>>
    %dma_wait3A_291 = tpu.memref_squeeze %dma_wait3A_290 : memref<1x!tpu.dma_semaphore, #tpu.memory_space<semaphore_mem>> -> memref<!tpu.dma_semaphore, #tpu.memory_space<semaphore_mem>>
    %dma_wait3A_292 = arith.constant 0 : i32
    %dma_wait3A_293 = arith.constant 0 : i32
    %dma_wait3A_294 = tpu.memref_slice %arg4[%dma_wait3A_282, %dma_wait3A_292, %dma_wait3A_293] : memref<7x16x1024xf32, #tpu.memory_space<vmem>> -> memref<1x16x1024xf32, #tpu.memory_space<vmem>>
    %dma_wait3A_295 = tpu.memref_squeeze %dma_wait3A_294 : memref<1x16x1024xf32, #tpu.memory_space<vmem>> -> memref<16x1024xf32, #tpu.memory_space<vmem>>
    %dma_wait3A_296 = arith.constant 0 : i32
    %dma_wait3A_297 = tpu.memref_slice %arg2[%add3A_10, %dma_wait3A_296] : memref<8192x1024xf32, #tpu.memory_space<hbm>> -> memref<16x1024xf32, #tpu.memory_space<hbm>>
    tpu.wait_dma2 semaphore(%dma_wait3A_291 : memref<!tpu.dma_semaphore, #tpu.memory_space<semaphore_mem>>) src(%dma_wait3A_297 : memref<16x1024xf32, #tpu.memory_space<hbm>>) dst(%dma_wait3A_295 : memref<16x1024xf32, #tpu.memory_space<vmem>>)
    %dma_start3A_298 = arith.constant 3 : i32
    %dma_start3A_299 = arith.constant 0 : i32
    %dma_start3A_300 = arith.constant 3 : i32
    %dma_start3A_301 = arith.constant 0 : i32
    %dma_start3A_302 = arith.constant 0 : i32
    %dma_start3A_303 = tpu.memref_slice %arg4[%dma_start3A_298, %dma_start3A_301, %dma_start3A_302] : memref<7x16x1024xf32, #tpu.memory_space<vmem>> -> memref<1x16x1024xf32, #tpu.memory_space<vmem>>
    %dma_start3A_304 = tpu.memref_squeeze %dma_start3A_303 : memref<1x16x1024xf32, #tpu.memory_space<vmem>> -> memref<16x1024xf32, #tpu.memory_space<vmem>>
    %dma_start3A_305 = arith.constant 0 : i32
    %dma_start3A_306 = tpu.memref_slice %arg3[%dma_start3A_299, %add3A_42, %dma_start3A_305] : memref<1x8192x1024xf32, #tpu.memory_space<hbm>> -> memref<1x16x1024xf32, #tpu.memory_space<hbm>>
    %dma_start3A_307 = tpu.memref_squeeze %dma_start3A_306 : memref<1x16x1024xf32, #tpu.memory_space<hbm>> -> memref<16x1024xf32, #tpu.memory_space<hbm>>
    %dma_start3A_308 = tpu.memref_slice %arg6[%dma_start3A_300] : memref<7x!tpu.dma_semaphore, #tpu.memory_space<semaphore_mem>> -> memref<1x!tpu.dma_semaphore, #tpu.memory_space<semaphore_mem>>
    %dma_start3A_309 = tpu.memref_squeeze %dma_start3A_308 : memref<1x!tpu.dma_semaphore, #tpu.memory_space<semaphore_mem>> -> memref<!tpu.dma_semaphore, #tpu.memory_space<semaphore_mem>>
    %dma_start3A_310 = arith.constant 0 : i32
    %dma_start3A_311 = tpu.memref_slice %arg3[%dma_start3A_299, %add3A_42, %dma_start3A_310] : memref<1x8192x1024xf32, #tpu.memory_space<hbm>> -> memref<1x16x1024xf32, #tpu.memory_space<hbm>>
    %dma_start3A_312 = tpu.memref_squeeze %dma_start3A_311 : memref<1x16x1024xf32, #tpu.memory_space<hbm>> -> memref<16x1024xf32, #tpu.memory_space<hbm>>
    %dma_start3A_313 = arith.constant 0 : i32
    %dma_start3A_314 = arith.constant 0 : i32
    %dma_start3A_315 = tpu.memref_slice %arg4[%dma_start3A_298, %dma_start3A_313, %dma_start3A_314] : memref<7x16x1024xf32, #tpu.memory_space<vmem>> -> memref<1x16x1024xf32, #tpu.memory_space<vmem>>
    %dma_start3A_316 = tpu.memref_squeeze %dma_start3A_315 : memref<1x16x1024xf32, #tpu.memory_space<vmem>> -> memref<16x1024xf32, #tpu.memory_space<vmem>>
    tpu.enqueue_dma source(%dma_start3A_316 : memref<16x1024xf32, #tpu.memory_space<vmem>>) target(%dma_start3A_312 : memref<16x1024xf32, #tpu.memory_space<hbm>>) target_semaphore(%dma_start3A_309 : memref<!tpu.dma_semaphore, #tpu.memory_space<semaphore_mem>>)
    %dma_wait3A_317 = arith.constant 0 : i32
    %dma_wait3A_318 = arith.constant 0 : i32
    %dma_wait3A_319 = arith.constant 0 : i32
    %dma_wait3A_320 = arith.constant 0 : i32
    %dma_wait3A_321 = arith.constant 0 : i32
    %dma_wait3A_322 = tpu.memref_slice %arg4[%dma_wait3A_317, %dma_wait3A_320, %dma_wait3A_321] : memref<7x16x1024xf32, #tpu.memory_space<vmem>> -> memref<1x16x1024xf32, #tpu.memory_space<vmem>>
    %dma_wait3A_323 = tpu.memref_squeeze %dma_wait3A_322 : memref<1x16x1024xf32, #tpu.memory_space<vmem>> -> memref<16x1024xf32, #tpu.memory_space<vmem>>
    %dma_wait3A_324 = arith.constant 0 : i32
    %dma_wait3A_325 = tpu.memref_slice %arg3[%dma_wait3A_318, %add3A_36, %dma_wait3A_324] : memref<1x8192x1024xf32, #tpu.memory_space<hbm>> -> memref<1x16x1024xf32, #tpu.memory_space<hbm>>
    %dma_wait3A_326 = tpu.memref_squeeze %dma_wait3A_325 : memref<1x16x1024xf32, #tpu.memory_space<hbm>> -> memref<16x1024xf32, #tpu.memory_space<hbm>>
    %dma_wait3A_327 = tpu.memref_slice %arg6[%dma_wait3A_319] : memref<7x!tpu.dma_semaphore, #tpu.memory_space<semaphore_mem>> -> memref<1x!tpu.dma_semaphore, #tpu.memory_space<semaphore_mem>>
    %dma_wait3A_328 = tpu.memref_squeeze %dma_wait3A_327 : memref<1x!tpu.dma_semaphore, #tpu.memory_space<semaphore_mem>> -> memref<!tpu.dma_semaphore, #tpu.memory_space<semaphore_mem>>
    %dma_wait3A_329 = arith.constant 0 : i32
    %dma_wait3A_330 = tpu.memref_slice %arg3[%dma_wait3A_318, %add3A_36, %dma_wait3A_329] : memref<1x8192x1024xf32, #tpu.memory_space<hbm>> -> memref<1x16x1024xf32, #tpu.memory_space<hbm>>
    %dma_wait3A_331 = tpu.memref_squeeze %dma_wait3A_330 : memref<1x16x1024xf32, #tpu.memory_space<hbm>> -> memref<16x1024xf32, #tpu.memory_space<hbm>>
    %dma_wait3A_332 = arith.constant 0 : i32
    %dma_wait3A_333 = arith.constant 0 : i32
    %dma_wait3A_334 = tpu.memref_slice %arg4[%dma_wait3A_317, %dma_wait3A_332, %dma_wait3A_333] : memref<7x16x1024xf32, #tpu.memory_space<vmem>> -> memref<1x16x1024xf32, #tpu.memory_space<vmem>>
    %dma_wait3A_335 = tpu.memref_squeeze %dma_wait3A_334 : memref<1x16x1024xf32, #tpu.memory_space<vmem>> -> memref<16x1024xf32, #tpu.memory_space<vmem>>
    tpu.wait_dma2 semaphore(%dma_wait3A_328 : memref<!tpu.dma_semaphore, #tpu.memory_space<semaphore_mem>>) src(%dma_wait3A_335 : memref<16x1024xf32, #tpu.memory_space<vmem>>) dst(%dma_wait3A_331 : memref<16x1024xf32, #tpu.memory_space<hbm>>)
    %dma_start3A_336 = arith.constant 0 : i32
    %dma_start3A_337 = arith.constant 0 : i32
    %dma_start3A_338 = arith.constant 0 : i32
    %dma_start3A_339 = arith.constant 0 : i32
    %dma_start3A_340 = tpu.memref_slice %arg4[%dma_start3A_336, %dma_start3A_338, %dma_start3A_339] : memref<7x16x1024xf32, #tpu.memory_space<vmem>> -> memref<1x16x1024xf32, #tpu.memory_space<vmem>>
    %dma_start3A_341 = tpu.memref_squeeze %dma_start3A_340 : memref<1x16x1024xf32, #tpu.memory_space<vmem>> -> memref<16x1024xf32, #tpu.memory_space<vmem>>
    %dma_start3A_342 = arith.constant 0 : i32
    %dma_start3A_343 = tpu.memref_slice %arg2[%add3A_18, %dma_start3A_342] : memref<8192x1024xf32, #tpu.memory_space<hbm>> -> memref<16x1024xf32, #tpu.memory_space<hbm>>
    %dma_start3A_344 = tpu.memref_slice %arg5[%dma_start3A_337] : memref<7x!tpu.dma_semaphore, #tpu.memory_space<semaphore_mem>> -> memref<1x!tpu.dma_semaphore, #tpu.memory_space<semaphore_mem>>
    %dma_start3A_345 = tpu.memref_squeeze %dma_start3A_344 : memref<1x!tpu.dma_semaphore, #tpu.memory_space<semaphore_mem>> -> memref<!tpu.dma_semaphore, #tpu.memory_space<semaphore_mem>>
    %dma_start3A_346 = arith.constant 0 : i32
    %dma_start3A_347 = arith.constant 0 : i32
    %dma_start3A_348 = tpu.memref_slice %arg4[%dma_start3A_336, %dma_start3A_346, %dma_start3A_347] : memref<7x16x1024xf32, #tpu.memory_space<vmem>> -> memref<1x16x1024xf32, #tpu.memory_space<vmem>>
    %dma_start3A_349 = tpu.memref_squeeze %dma_start3A_348 : memref<1x16x1024xf32, #tpu.memory_space<vmem>> -> memref<16x1024xf32, #tpu.memory_space<vmem>>
    %dma_start3A_350 = arith.constant 0 : i32
    %dma_start3A_351 = tpu.memref_slice %arg2[%add3A_18, %dma_start3A_350] : memref<8192x1024xf32, #tpu.memory_space<hbm>> -> memref<16x1024xf32, #tpu.memory_space<hbm>>
    tpu.enqueue_dma source(%dma_start3A_351 : memref<16x1024xf32, #tpu.memory_space<hbm>>) target(%dma_start3A_349 : memref<16x1024xf32, #tpu.memory_space<vmem>>) target_semaphore(%dma_start3A_345 : memref<!tpu.dma_semaphore, #tpu.memory_space<semaphore_mem>>)
    %dma_wait3A_352 = arith.constant 4 : i32
    %dma_wait3A_353 = arith.constant 4 : i32
    %dma_wait3A_354 = arith.constant 0 : i32
    %dma_wait3A_355 = arith.constant 0 : i32
    %dma_wait3A_356 = tpu.memref_slice %arg4[%dma_wait3A_352, %dma_wait3A_354, %dma_wait3A_355] : memref<7x16x1024xf32, #tpu.memory_space<vmem>> -> memref<1x16x1024xf32, #tpu.memory_space<vmem>>
    %dma_wait3A_357 = tpu.memref_squeeze %dma_wait3A_356 : memref<1x16x1024xf32, #tpu.memory_space<vmem>> -> memref<16x1024xf32, #tpu.memory_space<vmem>>
    %dma_wait3A_358 = arith.constant 0 : i32
    %dma_wait3A_359 = tpu.memref_slice %arg2[%add3A_12, %dma_wait3A_358] : memref<8192x1024xf32, #tpu.memory_space<hbm>> -> memref<16x1024xf32, #tpu.memory_space<hbm>>
    %dma_wait3A_360 = tpu.memref_slice %arg5[%dma_wait3A_353] : memref<7x!tpu.dma_semaphore, #tpu.memory_space<semaphore_mem>> -> memref<1x!tpu.dma_semaphore, #tpu.memory_space<semaphore_mem>>
    %dma_wait3A_361 = tpu.memref_squeeze %dma_wait3A_360 : memref<1x!tpu.dma_semaphore, #tpu.memory_space<semaphore_mem>> -> memref<!tpu.dma_semaphore, #tpu.memory_space<semaphore_mem>>
    %dma_wait3A_362 = arith.constant 0 : i32
    %dma_wait3A_363 = arith.constant 0 : i32
    %dma_wait3A_364 = tpu.memref_slice %arg4[%dma_wait3A_352, %dma_wait3A_362, %dma_wait3A_363] : memref<7x16x1024xf32, #tpu.memory_space<vmem>> -> memref<1x16x1024xf32, #tpu.memory_space<vmem>>
    %dma_wait3A_365 = tpu.memref_squeeze %dma_wait3A_364 : memref<1x16x1024xf32, #tpu.memory_space<vmem>> -> memref<16x1024xf32, #tpu.memory_space<vmem>>
    %dma_wait3A_366 = arith.constant 0 : i32
    %dma_wait3A_367 = tpu.memref_slice %arg2[%add3A_12, %dma_wait3A_366] : memref<8192x1024xf32, #tpu.memory_space<hbm>> -> memref<16x1024xf32, #tpu.memory_space<hbm>>
    tpu.wait_dma2 semaphore(%dma_wait3A_361 : memref<!tpu.dma_semaphore, #tpu.memory_space<semaphore_mem>>) src(%dma_wait3A_367 : memref<16x1024xf32, #tpu.memory_space<hbm>>) dst(%dma_wait3A_365 : memref<16x1024xf32, #tpu.memory_space<vmem>>)
    %dma_start3A_368 = arith.constant 4 : i32
    %dma_start3A_369 = arith.constant 0 : i32
    %dma_start3A_370 = arith.constant 4 : i32
    %dma_start3A_371 = arith.constant 0 : i32
    %dma_start3A_372 = arith.constant 0 : i32
    %dma_start3A_373 = tpu.memref_slice %arg4[%dma_start3A_368, %dma_start3A_371, %dma_start3A_372] : memref<7x16x1024xf32, #tpu.memory_space<vmem>> -> memref<1x16x1024xf32, #tpu.memory_space<vmem>>
    %dma_start3A_374 = tpu.memref_squeeze %dma_start3A_373 : memref<1x16x1024xf32, #tpu.memory_space<vmem>> -> memref<16x1024xf32, #tpu.memory_space<vmem>>
    %dma_start3A_375 = arith.constant 0 : i32
    %dma_start3A_376 = tpu.memref_slice %arg3[%dma_start3A_369, %add3A_44, %dma_start3A_375] : memref<1x8192x1024xf32, #tpu.memory_space<hbm>> -> memref<1x16x1024xf32, #tpu.memory_space<hbm>>
    %dma_start3A_377 = tpu.memref_squeeze %dma_start3A_376 : memref<1x16x1024xf32, #tpu.memory_space<hbm>> -> memref<16x1024xf32, #tpu.memory_space<hbm>>
    %dma_start3A_378 = tpu.memref_slice %arg6[%dma_start3A_370] : memref<7x!tpu.dma_semaphore, #tpu.memory_space<semaphore_mem>> -> memref<1x!tpu.dma_semaphore, #tpu.memory_space<semaphore_mem>>
    %dma_start3A_379 = tpu.memref_squeeze %dma_start3A_378 : memref<1x!tpu.dma_semaphore, #tpu.memory_space<semaphore_mem>> -> memref<!tpu.dma_semaphore, #tpu.memory_space<semaphore_mem>>
    %dma_start3A_380 = arith.constant 0 : i32
    %dma_start3A_381 = tpu.memref_slice %arg3[%dma_start3A_369, %add3A_44, %dma_start3A_380] : memref<1x8192x1024xf32, #tpu.memory_space<hbm>> -> memref<1x16x1024xf32, #tpu.memory_space<hbm>>
    %dma_start3A_382 = tpu.memref_squeeze %dma_start3A_381 : memref<1x16x1024xf32, #tpu.memory_space<hbm>> -> memref<16x1024xf32, #tpu.memory_space<hbm>>
    %dma_start3A_383 = arith.constant 0 : i32
    %dma_start3A_384 = arith.constant 0 : i32
    %dma_start3A_385 = tpu.memref_slice %arg4[%dma_start3A_368, %dma_start3A_383, %dma_start3A_384] : memref<7x16x1024xf32, #tpu.memory_space<vmem>> -> memref<1x16x1024xf32, #tpu.memory_space<vmem>>
    %dma_start3A_386 = tpu.memref_squeeze %dma_start3A_385 : memref<1x16x1024xf32, #tpu.memory_space<vmem>> -> memref<16x1024xf32, #tpu.memory_space<vmem>>
    tpu.enqueue_dma source(%dma_start3A_386 : memref<16x1024xf32, #tpu.memory_space<vmem>>) target(%dma_start3A_382 : memref<16x1024xf32, #tpu.memory_space<hbm>>) target_semaphore(%dma_start3A_379 : memref<!tpu.dma_semaphore, #tpu.memory_space<semaphore_mem>>)
    %dma_wait3A_387 = arith.constant 1 : i32
    %dma_wait3A_388 = arith.constant 0 : i32
    %dma_wait3A_389 = arith.constant 1 : i32
    %dma_wait3A_390 = arith.constant 0 : i32
    %dma_wait3A_391 = arith.constant 0 : i32
    %dma_wait3A_392 = tpu.memref_slice %arg4[%dma_wait3A_387, %dma_wait3A_390, %dma_wait3A_391] : memref<7x16x1024xf32, #tpu.memory_space<vmem>> -> memref<1x16x1024xf32, #tpu.memory_space<vmem>>
    %dma_wait3A_393 = tpu.memref_squeeze %dma_wait3A_392 : memref<1x16x1024xf32, #tpu.memory_space<vmem>> -> memref<16x1024xf32, #tpu.memory_space<vmem>>
    %dma_wait3A_394 = arith.constant 0 : i32
    %dma_wait3A_395 = tpu.memref_slice %arg3[%dma_wait3A_388, %add3A_38, %dma_wait3A_394] : memref<1x8192x1024xf32, #tpu.memory_space<hbm>> -> memref<1x16x1024xf32, #tpu.memory_space<hbm>>
    %dma_wait3A_396 = tpu.memref_squeeze %dma_wait3A_395 : memref<1x16x1024xf32, #tpu.memory_space<hbm>> -> memref<16x1024xf32, #tpu.memory_space<hbm>>
    %dma_wait3A_397 = tpu.memref_slice %arg6[%dma_wait3A_389] : memref<7x!tpu.dma_semaphore, #tpu.memory_space<semaphore_mem>> -> memref<1x!tpu.dma_semaphore, #tpu.memory_space<semaphore_mem>>
    %dma_wait3A_398 = tpu.memref_squeeze %dma_wait3A_397 : memref<1x!tpu.dma_semaphore, #tpu.memory_space<semaphore_mem>> -> memref<!tpu.dma_semaphore, #tpu.memory_space<semaphore_mem>>
    %dma_wait3A_399 = arith.constant 0 : i32
    %dma_wait3A_400 = tpu.memref_slice %arg3[%dma_wait3A_388, %add3A_38, %dma_wait3A_399] : memref<1x8192x1024xf32, #tpu.memory_space<hbm>> -> memref<1x16x1024xf32, #tpu.memory_space<hbm>>
    %dma_wait3A_401 = tpu.memref_squeeze %dma_wait3A_400 : memref<1x16x1024xf32, #tpu.memory_space<hbm>> -> memref<16x1024xf32, #tpu.memory_space<hbm>>
    %dma_wait3A_402 = arith.constant 0 : i32
    %dma_wait3A_403 = arith.constant 0 : i32
    %dma_wait3A_404 = tpu.memref_slice %arg4[%dma_wait3A_387, %dma_wait3A_402, %dma_wait3A_403] : memref<7x16x1024xf32, #tpu.memory_space<vmem>> -> memref<1x16x1024xf32, #tpu.memory_space<vmem>>
    %dma_wait3A_405 = tpu.memref_squeeze %dma_wait3A_404 : memref<1x16x1024xf32, #tpu.memory_space<vmem>> -> memref<16x1024xf32, #tpu.memory_space<vmem>>
    tpu.wait_dma2 semaphore(%dma_wait3A_398 : memref<!tpu.dma_semaphore, #tpu.memory_space<semaphore_mem>>) src(%dma_wait3A_405 : memref<16x1024xf32, #tpu.memory_space<vmem>>) dst(%dma_wait3A_401 : memref<16x1024xf32, #tpu.memory_space<hbm>>)
    %dma_start3A_406 = arith.constant 1 : i32
    %dma_start3A_407 = arith.constant 1 : i32
    %dma_start3A_408 = arith.constant 0 : i32
    %dma_start3A_409 = arith.constant 0 : i32
    %dma_start3A_410 = tpu.memref_slice %arg4[%dma_start3A_406, %dma_start3A_408, %dma_start3A_409] : memref<7x16x1024xf32, #tpu.memory_space<vmem>> -> memref<1x16x1024xf32, #tpu.memory_space<vmem>>
    %dma_start3A_411 = tpu.memref_squeeze %dma_start3A_410 : memref<1x16x1024xf32, #tpu.memory_space<vmem>> -> memref<16x1024xf32, #tpu.memory_space<vmem>>
    %dma_start3A_412 = arith.constant 0 : i32
    %dma_start3A_413 = tpu.memref_slice %arg2[%add3A_20, %dma_start3A_412] : memref<8192x1024xf32, #tpu.memory_space<hbm>> -> memref<16x1024xf32, #tpu.memory_space<hbm>>
    %dma_start3A_414 = tpu.memref_slice %arg5[%dma_start3A_407] : memref<7x!tpu.dma_semaphore, #tpu.memory_space<semaphore_mem>> -> memref<1x!tpu.dma_semaphore, #tpu.memory_space<semaphore_mem>>
    %dma_start3A_415 = tpu.memref_squeeze %dma_start3A_414 : memref<1x!tpu.dma_semaphore, #tpu.memory_space<semaphore_mem>> -> memref<!tpu.dma_semaphore, #tpu.memory_space<semaphore_mem>>
    %dma_start3A_416 = arith.constant 0 : i32
    %dma_start3A_417 = arith.constant 0 : i32
    %dma_start3A_418 = tpu.memref_slice %arg4[%dma_start3A_406, %dma_start3A_416, %dma_start3A_417] : memref<7x16x1024xf32, #tpu.memory_space<vmem>> -> memref<1x16x1024xf32, #tpu.memory_space<vmem>>
    %dma_start3A_419 = tpu.memref_squeeze %dma_start3A_418 : memref<1x16x1024xf32, #tpu.memory_space<vmem>> -> memref<16x1024xf32, #tpu.memory_space<vmem>>
    %dma_start3A_420 = arith.constant 0 : i32
    %dma_start3A_421 = tpu.memref_slice %arg2[%add3A_20, %dma_start3A_420] : memref<8192x1024xf32, #tpu.memory_space<hbm>> -> memref<16x1024xf32, #tpu.memory_space<hbm>>
    tpu.enqueue_dma source(%dma_start3A_421 : memref<16x1024xf32, #tpu.memory_space<hbm>>) target(%dma_start3A_419 : memref<16x1024xf32, #tpu.memory_space<vmem>>) target_semaphore(%dma_start3A_415 : memref<!tpu.dma_semaphore, #tpu.memory_space<semaphore_mem>>)
    %dma_wait3A_422 = arith.constant 5 : i32
    %dma_wait3A_423 = arith.constant 5 : i32
    %dma_wait3A_424 = arith.constant 0 : i32
    %dma_wait3A_425 = arith.constant 0 : i32
    %dma_wait3A_426 = tpu.memref_slice %arg4[%dma_wait3A_422, %dma_wait3A_424, %dma_wait3A_425] : memref<7x16x1024xf32, #tpu.memory_space<vmem>> -> memref<1x16x1024xf32, #tpu.memory_space<vmem>>
    %dma_wait3A_427 = tpu.memref_squeeze %dma_wait3A_426 : memref<1x16x1024xf32, #tpu.memory_space<vmem>> -> memref<16x1024xf32, #tpu.memory_space<vmem>>
    %dma_wait3A_428 = arith.constant 0 : i32
    %dma_wait3A_429 = tpu.memref_slice %arg2[%add3A_14, %dma_wait3A_428] : memref<8192x1024xf32, #tpu.memory_space<hbm>> -> memref<16x1024xf32, #tpu.memory_space<hbm>>
    %dma_wait3A_430 = tpu.memref_slice %arg5[%dma_wait3A_423] : memref<7x!tpu.dma_semaphore, #tpu.memory_space<semaphore_mem>> -> memref<1x!tpu.dma_semaphore, #tpu.memory_space<semaphore_mem>>
    %dma_wait3A_431 = tpu.memref_squeeze %dma_wait3A_430 : memref<1x!tpu.dma_semaphore, #tpu.memory_space<semaphore_mem>> -> memref<!tpu.dma_semaphore, #tpu.memory_space<semaphore_mem>>
    %dma_wait3A_432 = arith.constant 0 : i32
    %dma_wait3A_433 = arith.constant 0 : i32
    %dma_wait3A_434 = tpu.memref_slice %arg4[%dma_wait3A_422, %dma_wait3A_432, %dma_wait3A_433] : memref<7x16x1024xf32, #tpu.memory_space<vmem>> -> memref<1x16x1024xf32, #tpu.memory_space<vmem>>
    %dma_wait3A_435 = tpu.memref_squeeze %dma_wait3A_434 : memref<1x16x1024xf32, #tpu.memory_space<vmem>> -> memref<16x1024xf32, #tpu.memory_space<vmem>>
    %dma_wait3A_436 = arith.constant 0 : i32
    %dma_wait3A_437 = tpu.memref_slice %arg2[%add3A_14, %dma_wait3A_436] : memref<8192x1024xf32, #tpu.memory_space<hbm>> -> memref<16x1024xf32, #tpu.memory_space<hbm>>
    tpu.wait_dma2 semaphore(%dma_wait3A_431 : memref<!tpu.dma_semaphore, #tpu.memory_space<semaphore_mem>>) src(%dma_wait3A_437 : memref<16x1024xf32, #tpu.memory_space<hbm>>) dst(%dma_wait3A_435 : memref<16x1024xf32, #tpu.memory_space<vmem>>)
    %dma_start3A_438 = arith.constant 5 : i32
    %dma_start3A_439 = arith.constant 0 : i32
    %dma_start3A_440 = arith.constant 5 : i32
    %dma_start3A_441 = arith.constant 0 : i32
    %dma_start3A_442 = arith.constant 0 : i32
    %dma_start3A_443 = tpu.memref_slice %arg4[%dma_start3A_438, %dma_start3A_441, %dma_start3A_442] : memref<7x16x1024xf32, #tpu.memory_space<vmem>> -> memref<1x16x1024xf32, #tpu.memory_space<vmem>>
    %dma_start3A_444 = tpu.memref_squeeze %dma_start3A_443 : memref<1x16x1024xf32, #tpu.memory_space<vmem>> -> memref<16x1024xf32, #tpu.memory_space<vmem>>
    %dma_start3A_445 = arith.constant 0 : i32
    %dma_start3A_446 = tpu.memref_slice %arg3[%dma_start3A_439, %add3A_46, %dma_start3A_445] : memref<1x8192x1024xf32, #tpu.memory_space<hbm>> -> memref<1x16x1024xf32, #tpu.memory_space<hbm>>
    %dma_start3A_447 = tpu.memref_squeeze %dma_start3A_446 : memref<1x16x1024xf32, #tpu.memory_space<hbm>> -> memref<16x1024xf32, #tpu.memory_space<hbm>>
    %dma_start3A_448 = tpu.memref_slice %arg6[%dma_start3A_440] : memref<7x!tpu.dma_semaphore, #tpu.memory_space<semaphore_mem>> -> memref<1x!tpu.dma_semaphore, #tpu.memory_space<semaphore_mem>>
    %dma_start3A_449 = tpu.memref_squeeze %dma_start3A_448 : memref<1x!tpu.dma_semaphore, #tpu.memory_space<semaphore_mem>> -> memref<!tpu.dma_semaphore, #tpu.memory_space<semaphore_mem>>
    %dma_start3A_450 = arith.constant 0 : i32
    %dma_start3A_451 = tpu.memref_slice %arg3[%dma_start3A_439, %add3A_46, %dma_start3A_450] : memref<1x8192x1024xf32, #tpu.memory_space<hbm>> -> memref<1x16x1024xf32, #tpu.memory_space<hbm>>
    %dma_start3A_452 = tpu.memref_squeeze %dma_start3A_451 : memref<1x16x1024xf32, #tpu.memory_space<hbm>> -> memref<16x1024xf32, #tpu.memory_space<hbm>>
    %dma_start3A_453 = arith.constant 0 : i32
    %dma_start3A_454 = arith.constant 0 : i32
    %dma_start3A_455 = tpu.memref_slice %arg4[%dma_start3A_438, %dma_start3A_453, %dma_start3A_454] : memref<7x16x1024xf32, #tpu.memory_space<vmem>> -> memref<1x16x1024xf32, #tpu.memory_space<vmem>>
    %dma_start3A_456 = tpu.memref_squeeze %dma_start3A_455 : memref<1x16x1024xf32, #tpu.memory_space<vmem>> -> memref<16x1024xf32, #tpu.memory_space<vmem>>
    tpu.enqueue_dma source(%dma_start3A_456 : memref<16x1024xf32, #tpu.memory_space<vmem>>) target(%dma_start3A_452 : memref<16x1024xf32, #tpu.memory_space<hbm>>) target_semaphore(%dma_start3A_449 : memref<!tpu.dma_semaphore, #tpu.memory_space<semaphore_mem>>)
    %dma_wait3A_457 = arith.constant 2 : i32
    %dma_wait3A_458 = arith.constant 0 : i32
    %dma_wait3A_459 = arith.constant 2 : i32
    %dma_wait3A_460 = arith.constant 0 : i32
    %dma_wait3A_461 = arith.constant 0 : i32
    %dma_wait3A_462 = tpu.memref_slice %arg4[%dma_wait3A_457, %dma_wait3A_460, %dma_wait3A_461] : memref<7x16x1024xf32, #tpu.memory_space<vmem>> -> memref<1x16x1024xf32, #tpu.memory_space<vmem>>
    %dma_wait3A_463 = tpu.memref_squeeze %dma_wait3A_462 : memref<1x16x1024xf32, #tpu.memory_space<vmem>> -> memref<16x1024xf32, #tpu.memory_space<vmem>>
    %dma_wait3A_464 = arith.constant 0 : i32
    %dma_wait3A_465 = tpu.memref_slice %arg3[%dma_wait3A_458, %add3A_40, %dma_wait3A_464] : memref<1x8192x1024xf32, #tpu.memory_space<hbm>> -> memref<1x16x1024xf32, #tpu.memory_space<hbm>>
    %dma_wait3A_466 = tpu.memref_squeeze %dma_wait3A_465 : memref<1x16x1024xf32, #tpu.memory_space<hbm>> -> memref<16x1024xf32, #tpu.memory_space<hbm>>
    %dma_wait3A_467 = tpu.memref_slice %arg6[%dma_wait3A_459] : memref<7x!tpu.dma_semaphore, #tpu.memory_space<semaphore_mem>> -> memref<1x!tpu.dma_semaphore, #tpu.memory_space<semaphore_mem>>
    %dma_wait3A_468 = tpu.memref_squeeze %dma_wait3A_467 : memref<1x!tpu.dma_semaphore, #tpu.memory_space<semaphore_mem>> -> memref<!tpu.dma_semaphore, #tpu.memory_space<semaphore_mem>>
    %dma_wait3A_469 = arith.constant 0 : i32
    %dma_wait3A_470 = tpu.memref_slice %arg3[%dma_wait3A_458, %add3A_40, %dma_wait3A_469] : memref<1x8192x1024xf32, #tpu.memory_space<hbm>> -> memref<1x16x1024xf32, #tpu.memory_space<hbm>>
    %dma_wait3A_471 = tpu.memref_squeeze %dma_wait3A_470 : memref<1x16x1024xf32, #tpu.memory_space<hbm>> -> memref<16x1024xf32, #tpu.memory_space<hbm>>
    %dma_wait3A_472 = arith.constant 0 : i32
    %dma_wait3A_473 = arith.constant 0 : i32
    %dma_wait3A_474 = tpu.memref_slice %arg4[%dma_wait3A_457, %dma_wait3A_472, %dma_wait3A_473] : memref<7x16x1024xf32, #tpu.memory_space<vmem>> -> memref<1x16x1024xf32, #tpu.memory_space<vmem>>
    %dma_wait3A_475 = tpu.memref_squeeze %dma_wait3A_474 : memref<1x16x1024xf32, #tpu.memory_space<vmem>> -> memref<16x1024xf32, #tpu.memory_space<vmem>>
    tpu.wait_dma2 semaphore(%dma_wait3A_468 : memref<!tpu.dma_semaphore, #tpu.memory_space<semaphore_mem>>) src(%dma_wait3A_475 : memref<16x1024xf32, #tpu.memory_space<vmem>>) dst(%dma_wait3A_471 : memref<16x1024xf32, #tpu.memory_space<hbm>>)
    %dma_start3A_476 = arith.constant 2 : i32
    %dma_start3A_477 = arith.constant 2 : i32
    %dma_start3A_478 = arith.constant 0 : i32
    %dma_start3A_479 = arith.constant 0 : i32
    %dma_start3A_480 = tpu.memref_slice %arg4[%dma_start3A_476, %dma_start3A_478, %dma_start3A_479] : memref<7x16x1024xf32, #tpu.memory_space<vmem>> -> memref<1x16x1024xf32, #tpu.memory_space<vmem>>
    %dma_start3A_481 = tpu.memref_squeeze %dma_start3A_480 : memref<1x16x1024xf32, #tpu.memory_space<vmem>> -> memref<16x1024xf32, #tpu.memory_space<vmem>>
    %dma_start3A_482 = arith.constant 0 : i32
    %dma_start3A_483 = tpu.memref_slice %arg2[%add3A_22, %dma_start3A_482] : memref<8192x1024xf32, #tpu.memory_space<hbm>> -> memref<16x1024xf32, #tpu.memory_space<hbm>>
    %dma_start3A_484 = tpu.memref_slice %arg5[%dma_start3A_477] : memref<7x!tpu.dma_semaphore, #tpu.memory_space<semaphore_mem>> -> memref<1x!tpu.dma_semaphore, #tpu.memory_space<semaphore_mem>>
    %dma_start3A_485 = tpu.memref_squeeze %dma_start3A_484 : memref<1x!tpu.dma_semaphore, #tpu.memory_space<semaphore_mem>> -> memref<!tpu.dma_semaphore, #tpu.memory_space<semaphore_mem>>
    %dma_start3A_486 = arith.constant 0 : i32
    %dma_start3A_487 = arith.constant 0 : i32
    %dma_start3A_488 = tpu.memref_slice %arg4[%dma_start3A_476, %dma_start3A_486, %dma_start3A_487] : memref<7x16x1024xf32, #tpu.memory_space<vmem>> -> memref<1x16x1024xf32, #tpu.memory_space<vmem>>
    %dma_start3A_489 = tpu.memref_squeeze %dma_start3A_488 : memref<1x16x1024xf32, #tpu.memory_space<vmem>> -> memref<16x1024xf32, #tpu.memory_space<vmem>>
    %dma_start3A_490 = arith.constant 0 : i32
    %dma_start3A_491 = tpu.memref_slice %arg2[%add3A_22, %dma_start3A_490] : memref<8192x1024xf32, #tpu.memory_space<hbm>> -> memref<16x1024xf32, #tpu.memory_space<hbm>>
    tpu.enqueue_dma source(%dma_start3A_491 : memref<16x1024xf32, #tpu.memory_space<hbm>>) target(%dma_start3A_489 : memref<16x1024xf32, #tpu.memory_space<vmem>>) target_semaphore(%dma_start3A_485 : memref<!tpu.dma_semaphore, #tpu.memory_space<semaphore_mem>>)
    %dma_wait3A_492 = arith.constant 6 : i32
    %dma_wait3A_493 = arith.constant 6 : i32
    %dma_wait3A_494 = arith.constant 0 : i32
    %dma_wait3A_495 = arith.constant 0 : i32
    %dma_wait3A_496 = tpu.memref_slice %arg4[%dma_wait3A_492, %dma_wait3A_494, %dma_wait3A_495] : memref<7x16x1024xf32, #tpu.memory_space<vmem>> -> memref<1x16x1024xf32, #tpu.memory_space<vmem>>
    %dma_wait3A_497 = tpu.memref_squeeze %dma_wait3A_496 : memref<1x16x1024xf32, #tpu.memory_space<vmem>> -> memref<16x1024xf32, #tpu.memory_space<vmem>>
    %dma_wait3A_498 = arith.constant 0 : i32
    %dma_wait3A_499 = tpu.memref_slice %arg2[%add3A_16, %dma_wait3A_498] : memref<8192x1024xf32, #tpu.memory_space<hbm>> -> memref<16x1024xf32, #tpu.memory_space<hbm>>
    %dma_wait3A_500 = tpu.memref_slice %arg5[%dma_wait3A_493] : memref<7x!tpu.dma_semaphore, #tpu.memory_space<semaphore_mem>> -> memref<1x!tpu.dma_semaphore, #tpu.memory_space<semaphore_mem>>
    %dma_wait3A_501 = tpu.memref_squeeze %dma_wait3A_500 : memref<1x!tpu.dma_semaphore, #tpu.memory_space<semaphore_mem>> -> memref<!tpu.dma_semaphore, #tpu.memory_space<semaphore_mem>>
    %dma_wait3A_502 = arith.constant 0 : i32
    %dma_wait3A_503 = arith.constant 0 : i32
    %dma_wait3A_504 = tpu.memref_slice %arg4[%dma_wait3A_492, %dma_wait3A_502, %dma_wait3A_503] : memref<7x16x1024xf32, #tpu.memory_space<vmem>> -> memref<1x16x1024xf32, #tpu.memory_space<vmem>>
    %dma_wait3A_505 = tpu.memref_squeeze %dma_wait3A_504 : memref<1x16x1024xf32, #tpu.memory_space<vmem>> -> memref<16x1024xf32, #tpu.memory_space<vmem>>
    %dma_wait3A_506 = arith.constant 0 : i32
    %dma_wait3A_507 = tpu.memref_slice %arg2[%add3A_16, %dma_wait3A_506] : memref<8192x1024xf32, #tpu.memory_space<hbm>> -> memref<16x1024xf32, #tpu.memory_space<hbm>>
    tpu.wait_dma2 semaphore(%dma_wait3A_501 : memref<!tpu.dma_semaphore, #tpu.memory_space<semaphore_mem>>) src(%dma_wait3A_507 : memref<16x1024xf32, #tpu.memory_space<hbm>>) dst(%dma_wait3A_505 : memref<16x1024xf32, #tpu.memory_space<vmem>>)
    %dma_start3A_508 = arith.constant 6 : i32
    %dma_start3A_509 = arith.constant 0 : i32
    %dma_start3A_510 = arith.constant 6 : i32
    %dma_start3A_511 = arith.constant 0 : i32
    %dma_start3A_512 = arith.constant 0 : i32
    %dma_start3A_513 = tpu.memref_slice %arg4[%dma_start3A_508, %dma_start3A_511, %dma_start3A_512] : memref<7x16x1024xf32, #tpu.memory_space<vmem>> -> memref<1x16x1024xf32, #tpu.memory_space<vmem>>
    %dma_start3A_514 = tpu.memref_squeeze %dma_start3A_513 : memref<1x16x1024xf32, #tpu.memory_space<vmem>> -> memref<16x1024xf32, #tpu.memory_space<vmem>>
    %dma_start3A_515 = arith.constant 0 : i32
    %dma_start3A_516 = tpu.memref_slice %arg3[%dma_start3A_509, %add3A_48, %dma_start3A_515] : memref<1x8192x1024xf32, #tpu.memory_space<hbm>> -> memref<1x16x1024xf32, #tpu.memory_space<hbm>>
    %dma_start3A_517 = tpu.memref_squeeze %dma_start3A_516 : memref<1x16x1024xf32, #tpu.memory_space<hbm>> -> memref<16x1024xf32, #tpu.memory_space<hbm>>
    %dma_start3A_518 = tpu.memref_slice %arg6[%dma_start3A_510] : memref<7x!tpu.dma_semaphore, #tpu.memory_space<semaphore_mem>> -> memref<1x!tpu.dma_semaphore, #tpu.memory_space<semaphore_mem>>
    %dma_start3A_519 = tpu.memref_squeeze %dma_start3A_518 : memref<1x!tpu.dma_semaphore, #tpu.memory_space<semaphore_mem>> -> memref<!tpu.dma_semaphore, #tpu.memory_space<semaphore_mem>>
    %dma_start3A_520 = arith.constant 0 : i32
    %dma_start3A_521 = tpu.memref_slice %arg3[%dma_start3A_509, %add3A_48, %dma_start3A_520] : memref<1x8192x1024xf32, #tpu.memory_space<hbm>> -> memref<1x16x1024xf32, #tpu.memory_space<hbm>>
    %dma_start3A_522 = tpu.memref_squeeze %dma_start3A_521 : memref<1x16x1024xf32, #tpu.memory_space<hbm>> -> memref<16x1024xf32, #tpu.memory_space<hbm>>
    %dma_start3A_523 = arith.constant 0 : i32
    %dma_start3A_524 = arith.constant 0 : i32
    %dma_start3A_525 = tpu.memref_slice %arg4[%dma_start3A_508, %dma_start3A_523, %dma_start3A_524] : memref<7x16x1024xf32, #tpu.memory_space<vmem>> -> memref<1x16x1024xf32, #tpu.memory_space<vmem>>
    %dma_start3A_526 = tpu.memref_squeeze %dma_start3A_525 : memref<1x16x1024xf32, #tpu.memory_space<vmem>> -> memref<16x1024xf32, #tpu.memory_space<vmem>>
    tpu.enqueue_dma source(%dma_start3A_526 : memref<16x1024xf32, #tpu.memory_space<vmem>>) target(%dma_start3A_522 : memref<16x1024xf32, #tpu.memory_space<hbm>>) target_semaphore(%dma_start3A_519 : memref<!tpu.dma_semaphore, #tpu.memory_space<semaphore_mem>>)
    %dma_wait3A_527 = arith.constant 3 : i32
    %dma_wait3A_528 = arith.constant 0 : i32
    %dma_wait3A_529 = arith.constant 3 : i32
    %dma_wait3A_530 = arith.constant 0 : i32
    %dma_wait3A_531 = arith.constant 0 : i32
    %dma_wait3A_532 = tpu.memref_slice %arg4[%dma_wait3A_527, %dma_wait3A_530, %dma_wait3A_531] : memref<7x16x1024xf32, #tpu.memory_space<vmem>> -> memref<1x16x1024xf32, #tpu.memory_space<vmem>>
    %dma_wait3A_533 = tpu.memref_squeeze %dma_wait3A_532 : memref<1x16x1024xf32, #tpu.memory_space<vmem>> -> memref<16x1024xf32, #tpu.memory_space<vmem>>
    %dma_wait3A_534 = arith.constant 0 : i32
    %dma_wait3A_535 = tpu.memref_slice %arg3[%dma_wait3A_528, %add3A_42, %dma_wait3A_534] : memref<1x8192x1024xf32, #tpu.memory_space<hbm>> -> memref<1x16x1024xf32, #tpu.memory_space<hbm>>
    %dma_wait3A_536 = tpu.memref_squeeze %dma_wait3A_535 : memref<1x16x1024xf32, #tpu.memory_space<hbm>> -> memref<16x1024xf32, #tpu.memory_space<hbm>>
    %dma_wait3A_537 = tpu.memref_slice %arg6[%dma_wait3A_529] : memref<7x!tpu.dma_semaphore, #tpu.memory_space<semaphore_mem>> -> memref<1x!tpu.dma_semaphore, #tpu.memory_space<semaphore_mem>>
    %dma_wait3A_538 = tpu.memref_squeeze %dma_wait3A_537 : memref<1x!tpu.dma_semaphore, #tpu.memory_space<semaphore_mem>> -> memref<!tpu.dma_semaphore, #tpu.memory_space<semaphore_mem>>
    %dma_wait3A_539 = arith.constant 0 : i32
    %dma_wait3A_540 = tpu.memref_slice %arg3[%dma_wait3A_528, %add3A_42, %dma_wait3A_539] : memref<1x8192x1024xf32, #tpu.memory_space<hbm>> -> memref<1x16x1024xf32, #tpu.memory_space<hbm>>
    %dma_wait3A_541 = tpu.memref_squeeze %dma_wait3A_540 : memref<1x16x1024xf32, #tpu.memory_space<hbm>> -> memref<16x1024xf32, #tpu.memory_space<hbm>>
    %dma_wait3A_542 = arith.constant 0 : i32
    %dma_wait3A_543 = arith.constant 0 : i32
    %dma_wait3A_544 = tpu.memref_slice %arg4[%dma_wait3A_527, %dma_wait3A_542, %dma_wait3A_543] : memref<7x16x1024xf32, #tpu.memory_space<vmem>> -> memref<1x16x1024xf32, #tpu.memory_space<vmem>>
    %dma_wait3A_545 = tpu.memref_squeeze %dma_wait3A_544 : memref<1x16x1024xf32, #tpu.memory_space<vmem>> -> memref<16x1024xf32, #tpu.memory_space<vmem>>
    tpu.wait_dma2 semaphore(%dma_wait3A_538 : memref<!tpu.dma_semaphore, #tpu.memory_space<semaphore_mem>>) src(%dma_wait3A_545 : memref<16x1024xf32, #tpu.memory_space<vmem>>) dst(%dma_wait3A_541 : memref<16x1024xf32, #tpu.memory_space<hbm>>)
    %dma_start3A_546 = arith.constant 3 : i32
    %dma_start3A_547 = arith.constant 3 : i32
    %dma_start3A_548 = arith.constant 0 : i32
    %dma_start3A_549 = arith.constant 0 : i32
    %dma_start3A_550 = tpu.memref_slice %arg4[%dma_start3A_546, %dma_start3A_548, %dma_start3A_549] : memref<7x16x1024xf32, #tpu.memory_space<vmem>> -> memref<1x16x1024xf32, #tpu.memory_space<vmem>>
    %dma_start3A_551 = tpu.memref_squeeze %dma_start3A_550 : memref<1x16x1024xf32, #tpu.memory_space<vmem>> -> memref<16x1024xf32, #tpu.memory_space<vmem>>
    %dma_start3A_552 = arith.constant 0 : i32
    %dma_start3A_553 = tpu.memref_slice %arg2[%add3A_24, %dma_start3A_552] : memref<8192x1024xf32, #tpu.memory_space<hbm>> -> memref<16x1024xf32, #tpu.memory_space<hbm>>
    %dma_start3A_554 = tpu.memref_slice %arg5[%dma_start3A_547] : memref<7x!tpu.dma_semaphore, #tpu.memory_space<semaphore_mem>> -> memref<1x!tpu.dma_semaphore, #tpu.memory_space<semaphore_mem>>
    %dma_start3A_555 = tpu.memref_squeeze %dma_start3A_554 : memref<1x!tpu.dma_semaphore, #tpu.memory_space<semaphore_mem>> -> memref<!tpu.dma_semaphore, #tpu.memory_space<semaphore_mem>>
    %dma_start3A_556 = arith.constant 0 : i32
    %dma_start3A_557 = arith.constant 0 : i32
    %dma_start3A_558 = tpu.memref_slice %arg4[%dma_start3A_546, %dma_start3A_556, %dma_start3A_557] : memref<7x16x1024xf32, #tpu.memory_space<vmem>> -> memref<1x16x1024xf32, #tpu.memory_space<vmem>>
    %dma_start3A_559 = tpu.memref_squeeze %dma_start3A_558 : memref<1x16x1024xf32, #tpu.memory_space<vmem>> -> memref<16x1024xf32, #tpu.memory_space<vmem>>
    %dma_start3A_560 = arith.constant 0 : i32
    %dma_start3A_561 = tpu.memref_slice %arg2[%add3A_24, %dma_start3A_560] : memref<8192x1024xf32, #tpu.memory_space<hbm>> -> memref<16x1024xf32, #tpu.memory_space<hbm>>
    tpu.enqueue_dma source(%dma_start3A_561 : memref<16x1024xf32, #tpu.memory_space<hbm>>) target(%dma_start3A_559 : memref<16x1024xf32, #tpu.memory_space<vmem>>) target_semaphore(%dma_start3A_555 : memref<!tpu.dma_semaphore, #tpu.memory_space<semaphore_mem>>)
    %dma_wait3A_562 = arith.constant 0 : i32
    %dma_wait3A_563 = arith.constant 0 : i32
    %dma_wait3A_564 = arith.constant 0 : i32
    %dma_wait3A_565 = arith.constant 0 : i32
    %dma_wait3A_566 = tpu.memref_slice %arg4[%dma_wait3A_562, %dma_wait3A_564, %dma_wait3A_565] : memref<7x16x1024xf32, #tpu.memory_space<vmem>> -> memref<1x16x1024xf32, #tpu.memory_space<vmem>>
    %dma_wait3A_567 = tpu.memref_squeeze %dma_wait3A_566 : memref<1x16x1024xf32, #tpu.memory_space<vmem>> -> memref<16x1024xf32, #tpu.memory_space<vmem>>
    %dma_wait3A_568 = arith.constant 0 : i32
    %dma_wait3A_569 = tpu.memref_slice %arg2[%add3A_18, %dma_wait3A_568] : memref<8192x1024xf32, #tpu.memory_space<hbm>> -> memref<16x1024xf32, #tpu.memory_space<hbm>>
    %dma_wait3A_570 = tpu.memref_slice %arg5[%dma_wait3A_563] : memref<7x!tpu.dma_semaphore, #tpu.memory_space<semaphore_mem>> -> memref<1x!tpu.dma_semaphore, #tpu.memory_space<semaphore_mem>>
    %dma_wait3A_571 = tpu.memref_squeeze %dma_wait3A_570 : memref<1x!tpu.dma_semaphore, #tpu.memory_space<semaphore_mem>> -> memref<!tpu.dma_semaphore, #tpu.memory_space<semaphore_mem>>
    %dma_wait3A_572 = arith.constant 0 : i32
    %dma_wait3A_573 = arith.constant 0 : i32
    %dma_wait3A_574 = tpu.memref_slice %arg4[%dma_wait3A_562, %dma_wait3A_572, %dma_wait3A_573] : memref<7x16x1024xf32, #tpu.memory_space<vmem>> -> memref<1x16x1024xf32, #tpu.memory_space<vmem>>
    %dma_wait3A_575 = tpu.memref_squeeze %dma_wait3A_574 : memref<1x16x1024xf32, #tpu.memory_space<vmem>> -> memref<16x1024xf32, #tpu.memory_space<vmem>>
    %dma_wait3A_576 = arith.constant 0 : i32
    %dma_wait3A_577 = tpu.memref_slice %arg2[%add3A_18, %dma_wait3A_576] : memref<8192x1024xf32, #tpu.memory_space<hbm>> -> memref<16x1024xf32, #tpu.memory_space<hbm>>
    tpu.wait_dma2 semaphore(%dma_wait3A_571 : memref<!tpu.dma_semaphore, #tpu.memory_space<semaphore_mem>>) src(%dma_wait3A_577 : memref<16x1024xf32, #tpu.memory_space<hbm>>) dst(%dma_wait3A_575 : memref<16x1024xf32, #tpu.memory_space<vmem>>)
    %dma_start3A_578 = arith.constant 0 : i32
    %dma_start3A_579 = arith.constant 0 : i32
    %dma_start3A_580 = arith.constant 0 : i32
    %dma_start3A_581 = arith.constant 0 : i32
    %dma_start3A_582 = arith.constant 0 : i32
    %dma_start3A_583 = tpu.memref_slice %arg4[%dma_start3A_578, %dma_start3A_581, %dma_start3A_582] : memref<7x16x1024xf32, #tpu.memory_space<vmem>> -> memref<1x16x1024xf32, #tpu.memory_space<vmem>>
    %dma_start3A_584 = tpu.memref_squeeze %dma_start3A_583 : memref<1x16x1024xf32, #tpu.memory_space<vmem>> -> memref<16x1024xf32, #tpu.memory_space<vmem>>
    %dma_start3A_585 = arith.constant 0 : i32
    %dma_start3A_586 = tpu.memref_slice %arg3[%dma_start3A_579, %add3A_50, %dma_start3A_585] : memref<1x8192x1024xf32, #tpu.memory_space<hbm>> -> memref<1x16x1024xf32, #tpu.memory_space<hbm>>
    %dma_start3A_587 = tpu.memref_squeeze %dma_start3A_586 : memref<1x16x1024xf32, #tpu.memory_space<hbm>> -> memref<16x1024xf32, #tpu.memory_space<hbm>>
    %dma_start3A_588 = tpu.memref_slice %arg6[%dma_start3A_580] : memref<7x!tpu.dma_semaphore, #tpu.memory_space<semaphore_mem>> -> memref<1x!tpu.dma_semaphore, #tpu.memory_space<semaphore_mem>>
    %dma_start3A_589 = tpu.memref_squeeze %dma_start3A_588 : memref<1x!tpu.dma_semaphore, #tpu.memory_space<semaphore_mem>> -> memref<!tpu.dma_semaphore, #tpu.memory_space<semaphore_mem>>
    %dma_start3A_590 = arith.constant 0 : i32
    %dma_start3A_591 = tpu.memref_slice %arg3[%dma_start3A_579, %add3A_50, %dma_start3A_590] : memref<1x8192x1024xf32, #tpu.memory_space<hbm>> -> memref<1x16x1024xf32, #tpu.memory_space<hbm>>
    %dma_start3A_592 = tpu.memref_squeeze %dma_start3A_591 : memref<1x16x1024xf32, #tpu.memory_space<hbm>> -> memref<16x1024xf32, #tpu.memory_space<hbm>>
    %dma_start3A_593 = arith.constant 0 : i32
    %dma_start3A_594 = arith.constant 0 : i32
    %dma_start3A_595 = tpu.memref_slice %arg4[%dma_start3A_578, %dma_start3A_593, %dma_start3A_594] : memref<7x16x1024xf32, #tpu.memory_space<vmem>> -> memref<1x16x1024xf32, #tpu.memory_space<vmem>>
    %dma_start3A_596 = tpu.memref_squeeze %dma_start3A_595 : memref<1x16x1024xf32, #tpu.memory_space<vmem>> -> memref<16x1024xf32, #tpu.memory_space<vmem>>
    tpu.enqueue_dma source(%dma_start3A_596 : memref<16x1024xf32, #tpu.memory_space<vmem>>) target(%dma_start3A_592 : memref<16x1024xf32, #tpu.memory_space<hbm>>) target_semaphore(%dma_start3A_589 : memref<!tpu.dma_semaphore, #tpu.memory_space<semaphore_mem>>)
    %dma_wait3A_597 = arith.constant 4 : i32
    %dma_wait3A_598 = arith.constant 0 : i32
    %dma_wait3A_599 = arith.constant 4 : i32
    %dma_wait3A_600 = arith.constant 0 : i32
    %dma_wait3A_601 = arith.constant 0 : i32
    %dma_wait3A_602 = tpu.memref_slice %arg4[%dma_wait3A_597, %dma_wait3A_600, %dma_wait3A_601] : memref<7x16x1024xf32, #tpu.memory_space<vmem>> -> memref<1x16x1024xf32, #tpu.memory_space<vmem>>
    %dma_wait3A_603 = tpu.memref_squeeze %dma_wait3A_602 : memref<1x16x1024xf32, #tpu.memory_space<vmem>> -> memref<16x1024xf32, #tpu.memory_space<vmem>>
    %dma_wait3A_604 = arith.constant 0 : i32
    %dma_wait3A_605 = tpu.memref_slice %arg3[%dma_wait3A_598, %add3A_44, %dma_wait3A_604] : memref<1x8192x1024xf32, #tpu.memory_space<hbm>> -> memref<1x16x1024xf32, #tpu.memory_space<hbm>>
    %dma_wait3A_606 = tpu.memref_squeeze %dma_wait3A_605 : memref<1x16x1024xf32, #tpu.memory_space<hbm>> -> memref<16x1024xf32, #tpu.memory_space<hbm>>
    %dma_wait3A_607 = tpu.memref_slice %arg6[%dma_wait3A_599] : memref<7x!tpu.dma_semaphore, #tpu.memory_space<semaphore_mem>> -> memref<1x!tpu.dma_semaphore, #tpu.memory_space<semaphore_mem>>
    %dma_wait3A_608 = tpu.memref_squeeze %dma_wait3A_607 : memref<1x!tpu.dma_semaphore, #tpu.memory_space<semaphore_mem>> -> memref<!tpu.dma_semaphore, #tpu.memory_space<semaphore_mem>>
    %dma_wait3A_609 = arith.constant 0 : i32
    %dma_wait3A_610 = tpu.memref_slice %arg3[%dma_wait3A_598, %add3A_44, %dma_wait3A_609] : memref<1x8192x1024xf32, #tpu.memory_space<hbm>> -> memref<1x16x1024xf32, #tpu.memory_space<hbm>>
    %dma_wait3A_611 = tpu.memref_squeeze %dma_wait3A_610 : memref<1x16x1024xf32, #tpu.memory_space<hbm>> -> memref<16x1024xf32, #tpu.memory_space<hbm>>
    %dma_wait3A_612 = arith.constant 0 : i32
    %dma_wait3A_613 = arith.constant 0 : i32
    %dma_wait3A_614 = tpu.memref_slice %arg4[%dma_wait3A_597, %dma_wait3A_612, %dma_wait3A_613] : memref<7x16x1024xf32, #tpu.memory_space<vmem>> -> memref<1x16x1024xf32, #tpu.memory_space<vmem>>
    %dma_wait3A_615 = tpu.memref_squeeze %dma_wait3A_614 : memref<1x16x1024xf32, #tpu.memory_space<vmem>> -> memref<16x1024xf32, #tpu.memory_space<vmem>>
    tpu.wait_dma2 semaphore(%dma_wait3A_608 : memref<!tpu.dma_semaphore, #tpu.memory_space<semaphore_mem>>) src(%dma_wait3A_615 : memref<16x1024xf32, #tpu.memory_space<vmem>>) dst(%dma_wait3A_611 : memref<16x1024xf32, #tpu.memory_space<hbm>>)
    %dma_start3A_616 = arith.constant 4 : i32
    %dma_start3A_617 = arith.constant 4 : i32
    %dma_start3A_618 = arith.constant 0 : i32
    %dma_start3A_619 = arith.constant 0 : i32
    %dma_start3A_620 = tpu.memref_slice %arg4[%dma_start3A_616, %dma_start3A_618, %dma_start3A_619] : memref<7x16x1024xf32, #tpu.memory_space<vmem>> -> memref<1x16x1024xf32, #tpu.memory_space<vmem>>
    %dma_start3A_621 = tpu.memref_squeeze %dma_start3A_620 : memref<1x16x1024xf32, #tpu.memory_space<vmem>> -> memref<16x1024xf32, #tpu.memory_space<vmem>>
    %dma_start3A_622 = arith.constant 0 : i32
    %dma_start3A_623 = tpu.memref_slice %arg2[%add3A_26, %dma_start3A_622] : memref<8192x1024xf32, #tpu.memory_space<hbm>> -> memref<16x1024xf32, #tpu.memory_space<hbm>>
    %dma_start3A_624 = tpu.memref_slice %arg5[%dma_start3A_617] : memref<7x!tpu.dma_semaphore, #tpu.memory_space<semaphore_mem>> -> memref<1x!tpu.dma_semaphore, #tpu.memory_space<semaphore_mem>>
    %dma_start3A_625 = tpu.memref_squeeze %dma_start3A_624 : memref<1x!tpu.dma_semaphore, #tpu.memory_space<semaphore_mem>> -> memref<!tpu.dma_semaphore, #tpu.memory_space<semaphore_mem>>
    %dma_start3A_626 = arith.constant 0 : i32
    %dma_start3A_627 = arith.constant 0 : i32
    %dma_start3A_628 = tpu.memref_slice %arg4[%dma_start3A_616, %dma_start3A_626, %dma_start3A_627] : memref<7x16x1024xf32, #tpu.memory_space<vmem>> -> memref<1x16x1024xf32, #tpu.memory_space<vmem>>
    %dma_start3A_629 = tpu.memref_squeeze %dma_start3A_628 : memref<1x16x1024xf32, #tpu.memory_space<vmem>> -> memref<16x1024xf32, #tpu.memory_space<vmem>>
    %dma_start3A_630 = arith.constant 0 : i32
    %dma_start3A_631 = tpu.memref_slice %arg2[%add3A_26, %dma_start3A_630] : memref<8192x1024xf32, #tpu.memory_space<hbm>> -> memref<16x1024xf32, #tpu.memory_space<hbm>>
    tpu.enqueue_dma source(%dma_start3A_631 : memref<16x1024xf32, #tpu.memory_space<hbm>>) target(%dma_start3A_629 : memref<16x1024xf32, #tpu.memory_space<vmem>>) target_semaphore(%dma_start3A_625 : memref<!tpu.dma_semaphore, #tpu.memory_space<semaphore_mem>>)
    %dma_wait3A_632 = arith.constant 1 : i32
    %dma_wait3A_633 = arith.constant 1 : i32
    %dma_wait3A_634 = arith.constant 0 : i32
    %dma_wait3A_635 = arith.constant 0 : i32
    %dma_wait3A_636 = tpu.memref_slice %arg4[%dma_wait3A_632, %dma_wait3A_634, %dma_wait3A_635] : memref<7x16x1024xf32, #tpu.memory_space<vmem>> -> memref<1x16x1024xf32, #tpu.memory_space<vmem>>
    %dma_wait3A_637 = tpu.memref_squeeze %dma_wait3A_636 : memref<1x16x1024xf32, #tpu.memory_space<vmem>> -> memref<16x1024xf32, #tpu.memory_space<vmem>>
    %dma_wait3A_638 = arith.constant 0 : i32
    %dma_wait3A_639 = tpu.memref_slice %arg2[%add3A_20, %dma_wait3A_638] : memref<8192x1024xf32, #tpu.memory_space<hbm>> -> memref<16x1024xf32, #tpu.memory_space<hbm>>
    %dma_wait3A_640 = tpu.memref_slice %arg5[%dma_wait3A_633] : memref<7x!tpu.dma_semaphore, #tpu.memory_space<semaphore_mem>> -> memref<1x!tpu.dma_semaphore, #tpu.memory_space<semaphore_mem>>
    %dma_wait3A_641 = tpu.memref_squeeze %dma_wait3A_640 : memref<1x!tpu.dma_semaphore, #tpu.memory_space<semaphore_mem>> -> memref<!tpu.dma_semaphore, #tpu.memory_space<semaphore_mem>>
    %dma_wait3A_642 = arith.constant 0 : i32
    %dma_wait3A_643 = arith.constant 0 : i32
    %dma_wait3A_644 = tpu.memref_slice %arg4[%dma_wait3A_632, %dma_wait3A_642, %dma_wait3A_643] : memref<7x16x1024xf32, #tpu.memory_space<vmem>> -> memref<1x16x1024xf32, #tpu.memory_space<vmem>>
    %dma_wait3A_645 = tpu.memref_squeeze %dma_wait3A_644 : memref<1x16x1024xf32, #tpu.memory_space<vmem>> -> memref<16x1024xf32, #tpu.memory_space<vmem>>
    %dma_wait3A_646 = arith.constant 0 : i32
    %dma_wait3A_647 = tpu.memref_slice %arg2[%add3A_20, %dma_wait3A_646] : memref<8192x1024xf32, #tpu.memory_space<hbm>> -> memref<16x1024xf32, #tpu.memory_space<hbm>>
    tpu.wait_dma2 semaphore(%dma_wait3A_641 : memref<!tpu.dma_semaphore, #tpu.memory_space<semaphore_mem>>) src(%dma_wait3A_647 : memref<16x1024xf32, #tpu.memory_space<hbm>>) dst(%dma_wait3A_645 : memref<16x1024xf32, #tpu.memory_space<vmem>>)
    %dma_start3A_648 = arith.constant 1 : i32
    %dma_start3A_649 = arith.constant 0 : i32
    %dma_start3A_650 = arith.constant 1 : i32
    %dma_start3A_651 = arith.constant 0 : i32
    %dma_start3A_652 = arith.constant 0 : i32
    %dma_start3A_653 = tpu.memref_slice %arg4[%dma_start3A_648, %dma_start3A_651, %dma_start3A_652] : memref<7x16x1024xf32, #tpu.memory_space<vmem>> -> memref<1x16x1024xf32, #tpu.memory_space<vmem>>
    %dma_start3A_654 = tpu.memref_squeeze %dma_start3A_653 : memref<1x16x1024xf32, #tpu.memory_space<vmem>> -> memref<16x1024xf32, #tpu.memory_space<vmem>>
    %dma_start3A_655 = arith.constant 0 : i32
    %dma_start3A_656 = tpu.memref_slice %arg3[%dma_start3A_649, %add3A_52, %dma_start3A_655] : memref<1x8192x1024xf32, #tpu.memory_space<hbm>> -> memref<1x16x1024xf32, #tpu.memory_space<hbm>>
    %dma_start3A_657 = tpu.memref_squeeze %dma_start3A_656 : memref<1x16x1024xf32, #tpu.memory_space<hbm>> -> memref<16x1024xf32, #tpu.memory_space<hbm>>
    %dma_start3A_658 = tpu.memref_slice %arg6[%dma_start3A_650] : memref<7x!tpu.dma_semaphore, #tpu.memory_space<semaphore_mem>> -> memref<1x!tpu.dma_semaphore, #tpu.memory_space<semaphore_mem>>
    %dma_start3A_659 = tpu.memref_squeeze %dma_start3A_658 : memref<1x!tpu.dma_semaphore, #tpu.memory_space<semaphore_mem>> -> memref<!tpu.dma_semaphore, #tpu.memory_space<semaphore_mem>>
    %dma_start3A_660 = arith.constant 0 : i32
    %dma_start3A_661 = tpu.memref_slice %arg3[%dma_start3A_649, %add3A_52, %dma_start3A_660] : memref<1x8192x1024xf32, #tpu.memory_space<hbm>> -> memref<1x16x1024xf32, #tpu.memory_space<hbm>>
    %dma_start3A_662 = tpu.memref_squeeze %dma_start3A_661 : memref<1x16x1024xf32, #tpu.memory_space<hbm>> -> memref<16x1024xf32, #tpu.memory_space<hbm>>
    %dma_start3A_663 = arith.constant 0 : i32
    %dma_start3A_664 = arith.constant 0 : i32
    %dma_start3A_665 = tpu.memref_slice %arg4[%dma_start3A_648, %dma_start3A_663, %dma_start3A_664] : memref<7x16x1024xf32, #tpu.memory_space<vmem>> -> memref<1x16x1024xf32, #tpu.memory_space<vmem>>
    %dma_start3A_666 = tpu.memref_squeeze %dma_start3A_665 : memref<1x16x1024xf32, #tpu.memory_space<vmem>> -> memref<16x1024xf32, #tpu.memory_space<vmem>>
    tpu.enqueue_dma source(%dma_start3A_666 : memref<16x1024xf32, #tpu.memory_space<vmem>>) target(%dma_start3A_662 : memref<16x1024xf32, #tpu.memory_space<hbm>>) target_semaphore(%dma_start3A_659 : memref<!tpu.dma_semaphore, #tpu.memory_space<semaphore_mem>>)
    %dma_wait3A_667 = arith.constant 5 : i32
    %dma_wait3A_668 = arith.constant 0 : i32
    %dma_wait3A_669 = arith.constant 5 : i32
    %dma_wait3A_670 = arith.constant 0 : i32
    %dma_wait3A_671 = arith.constant 0 : i32
    %dma_wait3A_672 = tpu.memref_slice %arg4[%dma_wait3A_667, %dma_wait3A_670, %dma_wait3A_671] : memref<7x16x1024xf32, #tpu.memory_space<vmem>> -> memref<1x16x1024xf32, #tpu.memory_space<vmem>>
    %dma_wait3A_673 = tpu.memref_squeeze %dma_wait3A_672 : memref<1x16x1024xf32, #tpu.memory_space<vmem>> -> memref<16x1024xf32, #tpu.memory_space<vmem>>
    %dma_wait3A_674 = arith.constant 0 : i32
    %dma_wait3A_675 = tpu.memref_slice %arg3[%dma_wait3A_668, %add3A_46, %dma_wait3A_674] : memref<1x8192x1024xf32, #tpu.memory_space<hbm>> -> memref<1x16x1024xf32, #tpu.memory_space<hbm>>
    %dma_wait3A_676 = tpu.memref_squeeze %dma_wait3A_675 : memref<1x16x1024xf32, #tpu.memory_space<hbm>> -> memref<16x1024xf32, #tpu.memory_space<hbm>>
    %dma_wait3A_677 = tpu.memref_slice %arg6[%dma_wait3A_669] : memref<7x!tpu.dma_semaphore, #tpu.memory_space<semaphore_mem>> -> memref<1x!tpu.dma_semaphore, #tpu.memory_space<semaphore_mem>>
    %dma_wait3A_678 = tpu.memref_squeeze %dma_wait3A_677 : memref<1x!tpu.dma_semaphore, #tpu.memory_space<semaphore_mem>> -> memref<!tpu.dma_semaphore, #tpu.memory_space<semaphore_mem>>
    %dma_wait3A_679 = arith.constant 0 : i32
    %dma_wait3A_680 = tpu.memref_slice %arg3[%dma_wait3A_668, %add3A_46, %dma_wait3A_679] : memref<1x8192x1024xf32, #tpu.memory_space<hbm>> -> memref<1x16x1024xf32, #tpu.memory_space<hbm>>
    %dma_wait3A_681 = tpu.memref_squeeze %dma_wait3A_680 : memref<1x16x1024xf32, #tpu.memory_space<hbm>> -> memref<16x1024xf32, #tpu.memory_space<hbm>>
    %dma_wait3A_682 = arith.constant 0 : i32
    %dma_wait3A_683 = arith.constant 0 : i32
    %dma_wait3A_684 = tpu.memref_slice %arg4[%dma_wait3A_667, %dma_wait3A_682, %dma_wait3A_683] : memref<7x16x1024xf32, #tpu.memory_space<vmem>> -> memref<1x16x1024xf32, #tpu.memory_space<vmem>>
    %dma_wait3A_685 = tpu.memref_squeeze %dma_wait3A_684 : memref<1x16x1024xf32, #tpu.memory_space<vmem>> -> memref<16x1024xf32, #tpu.memory_space<vmem>>
    tpu.wait_dma2 semaphore(%dma_wait3A_678 : memref<!tpu.dma_semaphore, #tpu.memory_space<semaphore_mem>>) src(%dma_wait3A_685 : memref<16x1024xf32, #tpu.memory_space<vmem>>) dst(%dma_wait3A_681 : memref<16x1024xf32, #tpu.memory_space<hbm>>)
    %dma_start3A_686 = arith.constant 5 : i32
    %dma_start3A_687 = arith.constant 5 : i32
    %dma_start3A_688 = arith.constant 0 : i32
    %dma_start3A_689 = arith.constant 0 : i32
    %dma_start3A_690 = tpu.memref_slice %arg4[%dma_start3A_686, %dma_start3A_688, %dma_start3A_689] : memref<7x16x1024xf32, #tpu.memory_space<vmem>> -> memref<1x16x1024xf32, #tpu.memory_space<vmem>>
    %dma_start3A_691 = tpu.memref_squeeze %dma_start3A_690 : memref<1x16x1024xf32, #tpu.memory_space<vmem>> -> memref<16x1024xf32, #tpu.memory_space<vmem>>
    %dma_start3A_692 = arith.constant 0 : i32
    %dma_start3A_693 = tpu.memref_slice %arg2[%add3A_28, %dma_start3A_692] : memref<8192x1024xf32, #tpu.memory_space<hbm>> -> memref<16x1024xf32, #tpu.memory_space<hbm>>
    %dma_start3A_694 = tpu.memref_slice %arg5[%dma_start3A_687] : memref<7x!tpu.dma_semaphore, #tpu.memory_space<semaphore_mem>> -> memref<1x!tpu.dma_semaphore, #tpu.memory_space<semaphore_mem>>
    %dma_start3A_695 = tpu.memref_squeeze %dma_start3A_694 : memref<1x!tpu.dma_semaphore, #tpu.memory_space<semaphore_mem>> -> memref<!tpu.dma_semaphore, #tpu.memory_space<semaphore_mem>>
    %dma_start3A_696 = arith.constant 0 : i32
    %dma_start3A_697 = arith.constant 0 : i32
    %dma_start3A_698 = tpu.memref_slice %arg4[%dma_start3A_686, %dma_start3A_696, %dma_start3A_697] : memref<7x16x1024xf32, #tpu.memory_space<vmem>> -> memref<1x16x1024xf32, #tpu.memory_space<vmem>>
    %dma_start3A_699 = tpu.memref_squeeze %dma_start3A_698 : memref<1x16x1024xf32, #tpu.memory_space<vmem>> -> memref<16x1024xf32, #tpu.memory_space<vmem>>
    %dma_start3A_700 = arith.constant 0 : i32
    %dma_start3A_701 = tpu.memref_slice %arg2[%add3A_28, %dma_start3A_700] : memref<8192x1024xf32, #tpu.memory_space<hbm>> -> memref<16x1024xf32, #tpu.memory_space<hbm>>
    tpu.enqueue_dma source(%dma_start3A_701 : memref<16x1024xf32, #tpu.memory_space<hbm>>) target(%dma_start3A_699 : memref<16x1024xf32, #tpu.memory_space<vmem>>) target_semaphore(%dma_start3A_695 : memref<!tpu.dma_semaphore, #tpu.memory_space<semaphore_mem>>)
    %dma_wait3A_702 = arith.constant 2 : i32
    %dma_wait3A_703 = arith.constant 2 : i32
    %dma_wait3A_704 = arith.constant 0 : i32
    %dma_wait3A_705 = arith.constant 0 : i32
    %dma_wait3A_706 = tpu.memref_slice %arg4[%dma_wait3A_702, %dma_wait3A_704, %dma_wait3A_705] : memref<7x16x1024xf32, #tpu.memory_space<vmem>> -> memref<1x16x1024xf32, #tpu.memory_space<vmem>>
    %dma_wait3A_707 = tpu.memref_squeeze %dma_wait3A_706 : memref<1x16x1024xf32, #tpu.memory_space<vmem>> -> memref<16x1024xf32, #tpu.memory_space<vmem>>
    %dma_wait3A_708 = arith.constant 0 : i32
    %dma_wait3A_709 = tpu.memref_slice %arg2[%add3A_22, %dma_wait3A_708] : memref<8192x1024xf32, #tpu.memory_space<hbm>> -> memref<16x1024xf32, #tpu.memory_space<hbm>>
    %dma_wait3A_710 = tpu.memref_slice %arg5[%dma_wait3A_703] : memref<7x!tpu.dma_semaphore, #tpu.memory_space<semaphore_mem>> -> memref<1x!tpu.dma_semaphore, #tpu.memory_space<semaphore_mem>>
    %dma_wait3A_711 = tpu.memref_squeeze %dma_wait3A_710 : memref<1x!tpu.dma_semaphore, #tpu.memory_space<semaphore_mem>> -> memref<!tpu.dma_semaphore, #tpu.memory_space<semaphore_mem>>
    %dma_wait3A_712 = arith.constant 0 : i32
    %dma_wait3A_713 = arith.constant 0 : i32
    %dma_wait3A_714 = tpu.memref_slice %arg4[%dma_wait3A_702, %dma_wait3A_712, %dma_wait3A_713] : memref<7x16x1024xf32, #tpu.memory_space<vmem>> -> memref<1x16x1024xf32, #tpu.memory_space<vmem>>
    %dma_wait3A_715 = tpu.memref_squeeze %dma_wait3A_714 : memref<1x16x1024xf32, #tpu.memory_space<vmem>> -> memref<16x1024xf32, #tpu.memory_space<vmem>>
    %dma_wait3A_716 = arith.constant 0 : i32
    %dma_wait3A_717 = tpu.memref_slice %arg2[%add3A_22, %dma_wait3A_716] : memref<8192x1024xf32, #tpu.memory_space<hbm>> -> memref<16x1024xf32, #tpu.memory_space<hbm>>
    tpu.wait_dma2 semaphore(%dma_wait3A_711 : memref<!tpu.dma_semaphore, #tpu.memory_space<semaphore_mem>>) src(%dma_wait3A_717 : memref<16x1024xf32, #tpu.memory_space<hbm>>) dst(%dma_wait3A_715 : memref<16x1024xf32, #tpu.memory_space<vmem>>)
    %dma_start3A_718 = arith.constant 2 : i32
    %dma_start3A_719 = arith.constant 0 : i32
    %dma_start3A_720 = arith.constant 2 : i32
    %dma_start3A_721 = arith.constant 0 : i32
    %dma_start3A_722 = arith.constant 0 : i32
    %dma_start3A_723 = tpu.memref_slice %arg4[%dma_start3A_718, %dma_start3A_721, %dma_start3A_722] : memref<7x16x1024xf32, #tpu.memory_space<vmem>> -> memref<1x16x1024xf32, #tpu.memory_space<vmem>>
    %dma_start3A_724 = tpu.memref_squeeze %dma_start3A_723 : memref<1x16x1024xf32, #tpu.memory_space<vmem>> -> memref<16x1024xf32, #tpu.memory_space<vmem>>
    %dma_start3A_725 = arith.constant 0 : i32
    %dma_start3A_726 = tpu.memref_slice %arg3[%dma_start3A_719, %add3A_54, %dma_start3A_725] : memref<1x8192x1024xf32, #tpu.memory_space<hbm>> -> memref<1x16x1024xf32, #tpu.memory_space<hbm>>
    %dma_start3A_727 = tpu.memref_squeeze %dma_start3A_726 : memref<1x16x1024xf32, #tpu.memory_space<hbm>> -> memref<16x1024xf32, #tpu.memory_space<hbm>>
    %dma_start3A_728 = tpu.memref_slice %arg6[%dma_start3A_720] : memref<7x!tpu.dma_semaphore, #tpu.memory_space<semaphore_mem>> -> memref<1x!tpu.dma_semaphore, #tpu.memory_space<semaphore_mem>>
    %dma_start3A_729 = tpu.memref_squeeze %dma_start3A_728 : memref<1x!tpu.dma_semaphore, #tpu.memory_space<semaphore_mem>> -> memref<!tpu.dma_semaphore, #tpu.memory_space<semaphore_mem>>
    %dma_start3A_730 = arith.constant 0 : i32
    %dma_start3A_731 = tpu.memref_slice %arg3[%dma_start3A_719, %add3A_54, %dma_start3A_730] : memref<1x8192x1024xf32, #tpu.memory_space<hbm>> -> memref<1x16x1024xf32, #tpu.memory_space<hbm>>
    %dma_start3A_732 = tpu.memref_squeeze %dma_start3A_731 : memref<1x16x1024xf32, #tpu.memory_space<hbm>> -> memref<16x1024xf32, #tpu.memory_space<hbm>>
    %dma_start3A_733 = arith.constant 0 : i32
    %dma_start3A_734 = arith.constant 0 : i32
    %dma_start3A_735 = tpu.memref_slice %arg4[%dma_start3A_718, %dma_start3A_733, %dma_start3A_734] : memref<7x16x1024xf32, #tpu.memory_space<vmem>> -> memref<1x16x1024xf32, #tpu.memory_space<vmem>>
    %dma_start3A_736 = tpu.memref_squeeze %dma_start3A_735 : memref<1x16x1024xf32, #tpu.memory_space<vmem>> -> memref<16x1024xf32, #tpu.memory_space<vmem>>
    tpu.enqueue_dma source(%dma_start3A_736 : memref<16x1024xf32, #tpu.memory_space<vmem>>) target(%dma_start3A_732 : memref<16x1024xf32, #tpu.memory_space<hbm>>) target_semaphore(%dma_start3A_729 : memref<!tpu.dma_semaphore, #tpu.memory_space<semaphore_mem>>)
    %dma_wait3A_737 = arith.constant 6 : i32
    %dma_wait3A_738 = arith.constant 0 : i32
    %dma_wait3A_739 = arith.constant 6 : i32
    %dma_wait3A_740 = arith.constant 0 : i32
    %dma_wait3A_741 = arith.constant 0 : i32
    %dma_wait3A_742 = tpu.memref_slice %arg4[%dma_wait3A_737, %dma_wait3A_740, %dma_wait3A_741] : memref<7x16x1024xf32, #tpu.memory_space<vmem>> -> memref<1x16x1024xf32, #tpu.memory_space<vmem>>
    %dma_wait3A_743 = tpu.memref_squeeze %dma_wait3A_742 : memref<1x16x1024xf32, #tpu.memory_space<vmem>> -> memref<16x1024xf32, #tpu.memory_space<vmem>>
    %dma_wait3A_744 = arith.constant 0 : i32
    %dma_wait3A_745 = tpu.memref_slice %arg3[%dma_wait3A_738, %add3A_48, %dma_wait3A_744] : memref<1x8192x1024xf32, #tpu.memory_space<hbm>> -> memref<1x16x1024xf32, #tpu.memory_space<hbm>>
    %dma_wait3A_746 = tpu.memref_squeeze %dma_wait3A_745 : memref<1x16x1024xf32, #tpu.memory_space<hbm>> -> memref<16x1024xf32, #tpu.memory_space<hbm>>
    %dma_wait3A_747 = tpu.memref_slice %arg6[%dma_wait3A_739] : memref<7x!tpu.dma_semaphore, #tpu.memory_space<semaphore_mem>> -> memref<1x!tpu.dma_semaphore, #tpu.memory_space<semaphore_mem>>
    %dma_wait3A_748 = tpu.memref_squeeze %dma_wait3A_747 : memref<1x!tpu.dma_semaphore, #tpu.memory_space<semaphore_mem>> -> memref<!tpu.dma_semaphore, #tpu.memory_space<semaphore_mem>>
    %dma_wait3A_749 = arith.constant 0 : i32
    %dma_wait3A_750 = tpu.memref_slice %arg3[%dma_wait3A_738, %add3A_48, %dma_wait3A_749] : memref<1x8192x1024xf32, #tpu.memory_space<hbm>> -> memref<1x16x1024xf32, #tpu.memory_space<hbm>>
    %dma_wait3A_751 = tpu.memref_squeeze %dma_wait3A_750 : memref<1x16x1024xf32, #tpu.memory_space<hbm>> -> memref<16x1024xf32, #tpu.memory_space<hbm>>
    %dma_wait3A_752 = arith.constant 0 : i32
    %dma_wait3A_753 = arith.constant 0 : i32
    %dma_wait3A_754 = tpu.memref_slice %arg4[%dma_wait3A_737, %dma_wait3A_752, %dma_wait3A_753] : memref<7x16x1024xf32, #tpu.memory_space<vmem>> -> memref<1x16x1024xf32, #tpu.memory_space<vmem>>
    %dma_wait3A_755 = tpu.memref_squeeze %dma_wait3A_754 : memref<1x16x1024xf32, #tpu.memory_space<vmem>> -> memref<16x1024xf32, #tpu.memory_space<vmem>>
    tpu.wait_dma2 semaphore(%dma_wait3A_748 : memref<!tpu.dma_semaphore, #tpu.memory_space<semaphore_mem>>) src(%dma_wait3A_755 : memref<16x1024xf32, #tpu.memory_space<vmem>>) dst(%dma_wait3A_751 : memref<16x1024xf32, #tpu.memory_space<hbm>>)
    %dma_start3A_756 = arith.constant 6 : i32
    %dma_start3A_757 = arith.constant 6 : i32
    %dma_start3A_758 = arith.constant 0 : i32
    %dma_start3A_759 = arith.constant 0 : i32
    %dma_start3A_760 = tpu.memref_slice %arg4[%dma_start3A_756, %dma_start3A_758, %dma_start3A_759] : memref<7x16x1024xf32, #tpu.memory_space<vmem>> -> memref<1x16x1024xf32, #tpu.memory_space<vmem>>
    %dma_start3A_761 = tpu.memref_squeeze %dma_start3A_760 : memref<1x16x1024xf32, #tpu.memory_space<vmem>> -> memref<16x1024xf32, #tpu.memory_space<vmem>>
    %dma_start3A_762 = arith.constant 0 : i32
    %dma_start3A_763 = tpu.memref_slice %arg2[%add3A_30, %dma_start3A_762] : memref<8192x1024xf32, #tpu.memory_space<hbm>> -> memref<16x1024xf32, #tpu.memory_space<hbm>>
    %dma_start3A_764 = tpu.memref_slice %arg5[%dma_start3A_757] : memref<7x!tpu.dma_semaphore, #tpu.memory_space<semaphore_mem>> -> memref<1x!tpu.dma_semaphore, #tpu.memory_space<semaphore_mem>>
    %dma_start3A_765 = tpu.memref_squeeze %dma_start3A_764 : memref<1x!tpu.dma_semaphore, #tpu.memory_space<semaphore_mem>> -> memref<!tpu.dma_semaphore, #tpu.memory_space<semaphore_mem>>
    %dma_start3A_766 = arith.constant 0 : i32
    %dma_start3A_767 = arith.constant 0 : i32
    %dma_start3A_768 = tpu.memref_slice %arg4[%dma_start3A_756, %dma_start3A_766, %dma_start3A_767] : memref<7x16x1024xf32, #tpu.memory_space<vmem>> -> memref<1x16x1024xf32, #tpu.memory_space<vmem>>
    %dma_start3A_769 = tpu.memref_squeeze %dma_start3A_768 : memref<1x16x1024xf32, #tpu.memory_space<vmem>> -> memref<16x1024xf32, #tpu.memory_space<vmem>>
    %dma_start3A_770 = arith.constant 0 : i32
    %dma_start3A_771 = tpu.memref_slice %arg2[%add3A_30, %dma_start3A_770] : memref<8192x1024xf32, #tpu.memory_space<hbm>> -> memref<16x1024xf32, #tpu.memory_space<hbm>>
    tpu.enqueue_dma source(%dma_start3A_771 : memref<16x1024xf32, #tpu.memory_space<hbm>>) target(%dma_start3A_769 : memref<16x1024xf32, #tpu.memory_space<vmem>>) target_semaphore(%dma_start3A_765 : memref<!tpu.dma_semaphore, #tpu.memory_space<semaphore_mem>>)
    %dma_wait3A_772 = arith.constant 3 : i32
    %dma_wait3A_773 = arith.constant 3 : i32
    %dma_wait3A_774 = arith.constant 0 : i32
    %dma_wait3A_775 = arith.constant 0 : i32
    %dma_wait3A_776 = tpu.memref_slice %arg4[%dma_wait3A_772, %dma_wait3A_774, %dma_wait3A_775] : memref<7x16x1024xf32, #tpu.memory_space<vmem>> -> memref<1x16x1024xf32, #tpu.memory_space<vmem>>
    %dma_wait3A_777 = tpu.memref_squeeze %dma_wait3A_776 : memref<1x16x1024xf32, #tpu.memory_space<vmem>> -> memref<16x1024xf32, #tpu.memory_space<vmem>>
    %dma_wait3A_778 = arith.constant 0 : i32
    %dma_wait3A_779 = tpu.memref_slice %arg2[%add3A_24, %dma_wait3A_778] : memref<8192x1024xf32, #tpu.memory_space<hbm>> -> memref<16x1024xf32, #tpu.memory_space<hbm>>
    %dma_wait3A_780 = tpu.memref_slice %arg5[%dma_wait3A_773] : memref<7x!tpu.dma_semaphore, #tpu.memory_space<semaphore_mem>> -> memref<1x!tpu.dma_semaphore, #tpu.memory_space<semaphore_mem>>
    %dma_wait3A_781 = tpu.memref_squeeze %dma_wait3A_780 : memref<1x!tpu.dma_semaphore, #tpu.memory_space<semaphore_mem>> -> memref<!tpu.dma_semaphore, #tpu.memory_space<semaphore_mem>>
    %dma_wait3A_782 = arith.constant 0 : i32
    %dma_wait3A_783 = arith.constant 0 : i32
    %dma_wait3A_784 = tpu.memref_slice %arg4[%dma_wait3A_772, %dma_wait3A_782, %dma_wait3A_783] : memref<7x16x1024xf32, #tpu.memory_space<vmem>> -> memref<1x16x1024xf32, #tpu.memory_space<vmem>>
    %dma_wait3A_785 = tpu.memref_squeeze %dma_wait3A_784 : memref<1x16x1024xf32, #tpu.memory_space<vmem>> -> memref<16x1024xf32, #tpu.memory_space<vmem>>
    %dma_wait3A_786 = arith.constant 0 : i32
    %dma_wait3A_787 = tpu.memref_slice %arg2[%add3A_24, %dma_wait3A_786] : memref<8192x1024xf32, #tpu.memory_space<hbm>> -> memref<16x1024xf32, #tpu.memory_space<hbm>>
    tpu.wait_dma2 semaphore(%dma_wait3A_781 : memref<!tpu.dma_semaphore, #tpu.memory_space<semaphore_mem>>) src(%dma_wait3A_787 : memref<16x1024xf32, #tpu.memory_space<hbm>>) dst(%dma_wait3A_785 : memref<16x1024xf32, #tpu.memory_space<vmem>>)
    %dma_start3A_788 = arith.constant 3 : i32
    %dma_start3A_789 = arith.constant 0 : i32
    %dma_start3A_790 = arith.constant 3 : i32
    %dma_start3A_791 = arith.constant 0 : i32
    %dma_start3A_792 = arith.constant 0 : i32
    %dma_start3A_793 = tpu.memref_slice %arg4[%dma_start3A_788, %dma_start3A_791, %dma_start3A_792] : memref<7x16x1024xf32, #tpu.memory_space<vmem>> -> memref<1x16x1024xf32, #tpu.memory_space<vmem>>
    %dma_start3A_794 = tpu.memref_squeeze %dma_start3A_793 : memref<1x16x1024xf32, #tpu.memory_space<vmem>> -> memref<16x1024xf32, #tpu.memory_space<vmem>>
    %dma_start3A_795 = arith.constant 0 : i32
    %dma_start3A_796 = tpu.memref_slice %arg3[%dma_start3A_789, %add3A_56, %dma_start3A_795] : memref<1x8192x1024xf32, #tpu.memory_space<hbm>> -> memref<1x16x1024xf32, #tpu.memory_space<hbm>>
    %dma_start3A_797 = tpu.memref_squeeze %dma_start3A_796 : memref<1x16x1024xf32, #tpu.memory_space<hbm>> -> memref<16x1024xf32, #tpu.memory_space<hbm>>
    %dma_start3A_798 = tpu.memref_slice %arg6[%dma_start3A_790] : memref<7x!tpu.dma_semaphore, #tpu.memory_space<semaphore_mem>> -> memref<1x!tpu.dma_semaphore, #tpu.memory_space<semaphore_mem>>
    %dma_start3A_799 = tpu.memref_squeeze %dma_start3A_798 : memref<1x!tpu.dma_semaphore, #tpu.memory_space<semaphore_mem>> -> memref<!tpu.dma_semaphore, #tpu.memory_space<semaphore_mem>>
    %dma_start3A_800 = arith.constant 0 : i32
    %dma_start3A_801 = tpu.memref_slice %arg3[%dma_start3A_789, %add3A_56, %dma_start3A_800] : memref<1x8192x1024xf32, #tpu.memory_space<hbm>> -> memref<1x16x1024xf32, #tpu.memory_space<hbm>>
    %dma_start3A_802 = tpu.memref_squeeze %dma_start3A_801 : memref<1x16x1024xf32, #tpu.memory_space<hbm>> -> memref<16x1024xf32, #tpu.memory_space<hbm>>
    %dma_start3A_803 = arith.constant 0 : i32
    %dma_start3A_804 = arith.constant 0 : i32
    %dma_start3A_805 = tpu.memref_slice %arg4[%dma_start3A_788, %dma_start3A_803, %dma_start3A_804] : memref<7x16x1024xf32, #tpu.memory_space<vmem>> -> memref<1x16x1024xf32, #tpu.memory_space<vmem>>
    %dma_start3A_806 = tpu.memref_squeeze %dma_start3A_805 : memref<1x16x1024xf32, #tpu.memory_space<vmem>> -> memref<16x1024xf32, #tpu.memory_space<vmem>>
    tpu.enqueue_dma source(%dma_start3A_806 : memref<16x1024xf32, #tpu.memory_space<vmem>>) target(%dma_start3A_802 : memref<16x1024xf32, #tpu.memory_space<hbm>>) target_semaphore(%dma_start3A_799 : memref<!tpu.dma_semaphore, #tpu.memory_space<semaphore_mem>>)
    %dma_wait3A_807 = arith.constant 0 : i32
    %dma_wait3A_808 = arith.constant 0 : i32
    %dma_wait3A_809 = arith.constant 0 : i32
    %dma_wait3A_810 = arith.constant 0 : i32
    %dma_wait3A_811 = arith.constant 0 : i32
    %dma_wait3A_812 = tpu.memref_slice %arg4[%dma_wait3A_807, %dma_wait3A_810, %dma_wait3A_811] : memref<7x16x1024xf32, #tpu.memory_space<vmem>> -> memref<1x16x1024xf32, #tpu.memory_space<vmem>>
    %dma_wait3A_813 = tpu.memref_squeeze %dma_wait3A_812 : memref<1x16x1024xf32, #tpu.memory_space<vmem>> -> memref<16x1024xf32, #tpu.memory_space<vmem>>
    %dma_wait3A_814 = arith.constant 0 : i32
    %dma_wait3A_815 = tpu.memref_slice %arg3[%dma_wait3A_808, %add3A_50, %dma_wait3A_814] : memref<1x8192x1024xf32, #tpu.memory_space<hbm>> -> memref<1x16x1024xf32, #tpu.memory_space<hbm>>
    %dma_wait3A_816 = tpu.memref_squeeze %dma_wait3A_815 : memref<1x16x1024xf32, #tpu.memory_space<hbm>> -> memref<16x1024xf32, #tpu.memory_space<hbm>>
    %dma_wait3A_817 = tpu.memref_slice %arg6[%dma_wait3A_809] : memref<7x!tpu.dma_semaphore, #tpu.memory_space<semaphore_mem>> -> memref<1x!tpu.dma_semaphore, #tpu.memory_space<semaphore_mem>>
    %dma_wait3A_818 = tpu.memref_squeeze %dma_wait3A_817 : memref<1x!tpu.dma_semaphore, #tpu.memory_space<semaphore_mem>> -> memref<!tpu.dma_semaphore, #tpu.memory_space<semaphore_mem>>
    %dma_wait3A_819 = arith.constant 0 : i32
    %dma_wait3A_820 = tpu.memref_slice %arg3[%dma_wait3A_808, %add3A_50, %dma_wait3A_819] : memref<1x8192x1024xf32, #tpu.memory_space<hbm>> -> memref<1x16x1024xf32, #tpu.memory_space<hbm>>
    %dma_wait3A_821 = tpu.memref_squeeze %dma_wait3A_820 : memref<1x16x1024xf32, #tpu.memory_space<hbm>> -> memref<16x1024xf32, #tpu.memory_space<hbm>>
    %dma_wait3A_822 = arith.constant 0 : i32
    %dma_wait3A_823 = arith.constant 0 : i32
    %dma_wait3A_824 = tpu.memref_slice %arg4[%dma_wait3A_807, %dma_wait3A_822, %dma_wait3A_823] : memref<7x16x1024xf32, #tpu.memory_space<vmem>> -> memref<1x16x1024xf32, #tpu.memory_space<vmem>>
    %dma_wait3A_825 = tpu.memref_squeeze %dma_wait3A_824 : memref<1x16x1024xf32, #tpu.memory_space<vmem>> -> memref<16x1024xf32, #tpu.memory_space<vmem>>
    tpu.wait_dma2 semaphore(%dma_wait3A_818 : memref<!tpu.dma_semaphore, #tpu.memory_space<semaphore_mem>>) src(%dma_wait3A_825 : memref<16x1024xf32, #tpu.memory_space<vmem>>) dst(%dma_wait3A_821 : memref<16x1024xf32, #tpu.memory_space<hbm>>)
    %dma_start3A_826 = arith.constant 0 : i32
    %dma_start3A_827 = arith.constant 0 : i32
    %dma_start3A_828 = arith.constant 0 : i32
    %dma_start3A_829 = arith.constant 0 : i32
    %dma_start3A_830 = tpu.memref_slice %arg4[%dma_start3A_826, %dma_start3A_828, %dma_start3A_829] : memref<7x16x1024xf32, #tpu.memory_space<vmem>> -> memref<1x16x1024xf32, #tpu.memory_space<vmem>>
    %dma_start3A_831 = tpu.memref_squeeze %dma_start3A_830 : memref<1x16x1024xf32, #tpu.memory_space<vmem>> -> memref<16x1024xf32, #tpu.memory_space<vmem>>
    %dma_start3A_832 = arith.constant 0 : i32
    %dma_start3A_833 = tpu.memref_slice %arg2[%add3A_32, %dma_start3A_832] : memref<8192x1024xf32, #tpu.memory_space<hbm>> -> memref<16x1024xf32, #tpu.memory_space<hbm>>
    %dma_start3A_834 = tpu.memref_slice %arg5[%dma_start3A_827] : memref<7x!tpu.dma_semaphore, #tpu.memory_space<semaphore_mem>> -> memref<1x!tpu.dma_semaphore, #tpu.memory_space<semaphore_mem>>
    %dma_start3A_835 = tpu.memref_squeeze %dma_start3A_834 : memref<1x!tpu.dma_semaphore, #tpu.memory_space<semaphore_mem>> -> memref<!tpu.dma_semaphore, #tpu.memory_space<semaphore_mem>>
    %dma_start3A_836 = arith.constant 0 : i32
    %dma_start3A_837 = arith.constant 0 : i32
    %dma_start3A_838 = tpu.memref_slice %arg4[%dma_start3A_826, %dma_start3A_836, %dma_start3A_837] : memref<7x16x1024xf32, #tpu.memory_space<vmem>> -> memref<1x16x1024xf32, #tpu.memory_space<vmem>>
    %dma_start3A_839 = tpu.memref_squeeze %dma_start3A_838 : memref<1x16x1024xf32, #tpu.memory_space<vmem>> -> memref<16x1024xf32, #tpu.memory_space<vmem>>
    %dma_start3A_840 = arith.constant 0 : i32
    %dma_start3A_841 = tpu.memref_slice %arg2[%add3A_32, %dma_start3A_840] : memref<8192x1024xf32, #tpu.memory_space<hbm>> -> memref<16x1024xf32, #tpu.memory_space<hbm>>
    tpu.enqueue_dma source(%dma_start3A_841 : memref<16x1024xf32, #tpu.memory_space<hbm>>) target(%dma_start3A_839 : memref<16x1024xf32, #tpu.memory_space<vmem>>) target_semaphore(%dma_start3A_835 : memref<!tpu.dma_semaphore, #tpu.memory_space<semaphore_mem>>)
    %dma_wait3A_842 = arith.constant 4 : i32
    %dma_wait3A_843 = arith.constant 4 : i32
    %dma_wait3A_844 = arith.constant 0 : i32
    %dma_wait3A_845 = arith.constant 0 : i32
    %dma_wait3A_846 = tpu.memref_slice %arg4[%dma_wait3A_842, %dma_wait3A_844, %dma_wait3A_845] : memref<7x16x1024xf32, #tpu.memory_space<vmem>> -> memref<1x16x1024xf32, #tpu.memory_space<vmem>>
    %dma_wait3A_847 = tpu.memref_squeeze %dma_wait3A_846 : memref<1x16x1024xf32, #tpu.memory_space<vmem>> -> memref<16x1024xf32, #tpu.memory_space<vmem>>
    %dma_wait3A_848 = arith.constant 0 : i32
    %dma_wait3A_849 = tpu.memref_slice %arg2[%add3A_26, %dma_wait3A_848] : memref<8192x1024xf32, #tpu.memory_space<hbm>> -> memref<16x1024xf32, #tpu.memory_space<hbm>>
    %dma_wait3A_850 = tpu.memref_slice %arg5[%dma_wait3A_843] : memref<7x!tpu.dma_semaphore, #tpu.memory_space<semaphore_mem>> -> memref<1x!tpu.dma_semaphore, #tpu.memory_space<semaphore_mem>>
    %dma_wait3A_851 = tpu.memref_squeeze %dma_wait3A_850 : memref<1x!tpu.dma_semaphore, #tpu.memory_space<semaphore_mem>> -> memref<!tpu.dma_semaphore, #tpu.memory_space<semaphore_mem>>
    %dma_wait3A_852 = arith.constant 0 : i32
    %dma_wait3A_853 = arith.constant 0 : i32
    %dma_wait3A_854 = tpu.memref_slice %arg4[%dma_wait3A_842, %dma_wait3A_852, %dma_wait3A_853] : memref<7x16x1024xf32, #tpu.memory_space<vmem>> -> memref<1x16x1024xf32, #tpu.memory_space<vmem>>
    %dma_wait3A_855 = tpu.memref_squeeze %dma_wait3A_854 : memref<1x16x1024xf32, #tpu.memory_space<vmem>> -> memref<16x1024xf32, #tpu.memory_space<vmem>>
    %dma_wait3A_856 = arith.constant 0 : i32
    %dma_wait3A_857 = tpu.memref_slice %arg2[%add3A_26, %dma_wait3A_856] : memref<8192x1024xf32, #tpu.memory_space<hbm>> -> memref<16x1024xf32, #tpu.memory_space<hbm>>
    tpu.wait_dma2 semaphore(%dma_wait3A_851 : memref<!tpu.dma_semaphore, #tpu.memory_space<semaphore_mem>>) src(%dma_wait3A_857 : memref<16x1024xf32, #tpu.memory_space<hbm>>) dst(%dma_wait3A_855 : memref<16x1024xf32, #tpu.memory_space<vmem>>)
    %dma_start3A_858 = arith.constant 4 : i32
    %dma_start3A_859 = arith.constant 0 : i32
    %dma_start3A_860 = arith.constant 4 : i32
    %dma_start3A_861 = arith.constant 0 : i32
    %dma_start3A_862 = arith.constant 0 : i32
    %dma_start3A_863 = tpu.memref_slice %arg4[%dma_start3A_858, %dma_start3A_861, %dma_start3A_862] : memref<7x16x1024xf32, #tpu.memory_space<vmem>> -> memref<1x16x1024xf32, #tpu.memory_space<vmem>>
    %dma_start3A_864 = tpu.memref_squeeze %dma_start3A_863 : memref<1x16x1024xf32, #tpu.memory_space<vmem>> -> memref<16x1024xf32, #tpu.memory_space<vmem>>
    %dma_start3A_865 = arith.constant 0 : i32
    %dma_start3A_866 = tpu.memref_slice %arg3[%dma_start3A_859, %add3A_58, %dma_start3A_865] : memref<1x8192x1024xf32, #tpu.memory_space<hbm>> -> memref<1x16x1024xf32, #tpu.memory_space<hbm>>
    %dma_start3A_867 = tpu.memref_squeeze %dma_start3A_866 : memref<1x16x1024xf32, #tpu.memory_space<hbm>> -> memref<16x1024xf32, #tpu.memory_space<hbm>>
    %dma_start3A_868 = tpu.memref_slice %arg6[%dma_start3A_860] : memref<7x!tpu.dma_semaphore, #tpu.memory_space<semaphore_mem>> -> memref<1x!tpu.dma_semaphore, #tpu.memory_space<semaphore_mem>>
    %dma_start3A_869 = tpu.memref_squeeze %dma_start3A_868 : memref<1x!tpu.dma_semaphore, #tpu.memory_space<semaphore_mem>> -> memref<!tpu.dma_semaphore, #tpu.memory_space<semaphore_mem>>
    %dma_start3A_870 = arith.constant 0 : i32
    %dma_start3A_871 = tpu.memref_slice %arg3[%dma_start3A_859, %add3A_58, %dma_start3A_870] : memref<1x8192x1024xf32, #tpu.memory_space<hbm>> -> memref<1x16x1024xf32, #tpu.memory_space<hbm>>
    %dma_start3A_872 = tpu.memref_squeeze %dma_start3A_871 : memref<1x16x1024xf32, #tpu.memory_space<hbm>> -> memref<16x1024xf32, #tpu.memory_space<hbm>>
    %dma_start3A_873 = arith.constant 0 : i32
    %dma_start3A_874 = arith.constant 0 : i32
    %dma_start3A_875 = tpu.memref_slice %arg4[%dma_start3A_858, %dma_start3A_873, %dma_start3A_874] : memref<7x16x1024xf32, #tpu.memory_space<vmem>> -> memref<1x16x1024xf32, #tpu.memory_space<vmem>>
    %dma_start3A_876 = tpu.memref_squeeze %dma_start3A_875 : memref<1x16x1024xf32, #tpu.memory_space<vmem>> -> memref<16x1024xf32, #tpu.memory_space<vmem>>
    tpu.enqueue_dma source(%dma_start3A_876 : memref<16x1024xf32, #tpu.memory_space<vmem>>) target(%dma_start3A_872 : memref<16x1024xf32, #tpu.memory_space<hbm>>) target_semaphore(%dma_start3A_869 : memref<!tpu.dma_semaphore, #tpu.memory_space<semaphore_mem>>)
    %dma_wait3A_877 = arith.constant 1 : i32
    %dma_wait3A_878 = arith.constant 0 : i32
    %dma_wait3A_879 = arith.constant 1 : i32
    %dma_wait3A_880 = arith.constant 0 : i32
    %dma_wait3A_881 = arith.constant 0 : i32
    %dma_wait3A_882 = tpu.memref_slice %arg4[%dma_wait3A_877, %dma_wait3A_880, %dma_wait3A_881] : memref<7x16x1024xf32, #tpu.memory_space<vmem>> -> memref<1x16x1024xf32, #tpu.memory_space<vmem>>
    %dma_wait3A_883 = tpu.memref_squeeze %dma_wait3A_882 : memref<1x16x1024xf32, #tpu.memory_space<vmem>> -> memref<16x1024xf32, #tpu.memory_space<vmem>>
    %dma_wait3A_884 = arith.constant 0 : i32
    %dma_wait3A_885 = tpu.memref_slice %arg3[%dma_wait3A_878, %add3A_52, %dma_wait3A_884] : memref<1x8192x1024xf32, #tpu.memory_space<hbm>> -> memref<1x16x1024xf32, #tpu.memory_space<hbm>>
    %dma_wait3A_886 = tpu.memref_squeeze %dma_wait3A_885 : memref<1x16x1024xf32, #tpu.memory_space<hbm>> -> memref<16x1024xf32, #tpu.memory_space<hbm>>
    %dma_wait3A_887 = tpu.memref_slice %arg6[%dma_wait3A_879] : memref<7x!tpu.dma_semaphore, #tpu.memory_space<semaphore_mem>> -> memref<1x!tpu.dma_semaphore, #tpu.memory_space<semaphore_mem>>
    %dma_wait3A_888 = tpu.memref_squeeze %dma_wait3A_887 : memref<1x!tpu.dma_semaphore, #tpu.memory_space<semaphore_mem>> -> memref<!tpu.dma_semaphore, #tpu.memory_space<semaphore_mem>>
    %dma_wait3A_889 = arith.constant 0 : i32
    %dma_wait3A_890 = tpu.memref_slice %arg3[%dma_wait3A_878, %add3A_52, %dma_wait3A_889] : memref<1x8192x1024xf32, #tpu.memory_space<hbm>> -> memref<1x16x1024xf32, #tpu.memory_space<hbm>>
    %dma_wait3A_891 = tpu.memref_squeeze %dma_wait3A_890 : memref<1x16x1024xf32, #tpu.memory_space<hbm>> -> memref<16x1024xf32, #tpu.memory_space<hbm>>
    %dma_wait3A_892 = arith.constant 0 : i32
    %dma_wait3A_893 = arith.constant 0 : i32
    %dma_wait3A_894 = tpu.memref_slice %arg4[%dma_wait3A_877, %dma_wait3A_892, %dma_wait3A_893] : memref<7x16x1024xf32, #tpu.memory_space<vmem>> -> memref<1x16x1024xf32, #tpu.memory_space<vmem>>
    %dma_wait3A_895 = tpu.memref_squeeze %dma_wait3A_894 : memref<1x16x1024xf32, #tpu.memory_space<vmem>> -> memref<16x1024xf32, #tpu.memory_space<vmem>>
    tpu.wait_dma2 semaphore(%dma_wait3A_888 : memref<!tpu.dma_semaphore, #tpu.memory_space<semaphore_mem>>) src(%dma_wait3A_895 : memref<16x1024xf32, #tpu.memory_space<vmem>>) dst(%dma_wait3A_891 : memref<16x1024xf32, #tpu.memory_space<hbm>>)
    %dma_start3A_896 = arith.constant 1 : i32
    %dma_start3A_897 = arith.constant 1 : i32
    %dma_start3A_898 = arith.constant 0 : i32
    %dma_start3A_899 = arith.constant 0 : i32
    %dma_start3A_900 = tpu.memref_slice %arg4[%dma_start3A_896, %dma_start3A_898, %dma_start3A_899] : memref<7x16x1024xf32, #tpu.memory_space<vmem>> -> memref<1x16x1024xf32, #tpu.memory_space<vmem>>
    %dma_start3A_901 = tpu.memref_squeeze %dma_start3A_900 : memref<1x16x1024xf32, #tpu.memory_space<vmem>> -> memref<16x1024xf32, #tpu.memory_space<vmem>>
    %dma_start3A_902 = arith.constant 0 : i32
    %dma_start3A_903 = tpu.memref_slice %arg2[%add3A_34, %dma_start3A_902] : memref<8192x1024xf32, #tpu.memory_space<hbm>> -> memref<16x1024xf32, #tpu.memory_space<hbm>>
    %dma_start3A_904 = tpu.memref_slice %arg5[%dma_start3A_897] : memref<7x!tpu.dma_semaphore, #tpu.memory_space<semaphore_mem>> -> memref<1x!tpu.dma_semaphore, #tpu.memory_space<semaphore_mem>>
    %dma_start3A_905 = tpu.memref_squeeze %dma_start3A_904 : memref<1x!tpu.dma_semaphore, #tpu.memory_space<semaphore_mem>> -> memref<!tpu.dma_semaphore, #tpu.memory_space<semaphore_mem>>
    %dma_start3A_906 = arith.constant 0 : i32
    %dma_start3A_907 = arith.constant 0 : i32
    %dma_start3A_908 = tpu.memref_slice %arg4[%dma_start3A_896, %dma_start3A_906, %dma_start3A_907] : memref<7x16x1024xf32, #tpu.memory_space<vmem>> -> memref<1x16x1024xf32, #tpu.memory_space<vmem>>
    %dma_start3A_909 = tpu.memref_squeeze %dma_start3A_908 : memref<1x16x1024xf32, #tpu.memory_space<vmem>> -> memref<16x1024xf32, #tpu.memory_space<vmem>>
    %dma_start3A_910 = arith.constant 0 : i32
    %dma_start3A_911 = tpu.memref_slice %arg2[%add3A_34, %dma_start3A_910] : memref<8192x1024xf32, #tpu.memory_space<hbm>> -> memref<16x1024xf32, #tpu.memory_space<hbm>>
    tpu.enqueue_dma source(%dma_start3A_911 : memref<16x1024xf32, #tpu.memory_space<hbm>>) target(%dma_start3A_909 : memref<16x1024xf32, #tpu.memory_space<vmem>>) target_semaphore(%dma_start3A_905 : memref<!tpu.dma_semaphore, #tpu.memory_space<semaphore_mem>>)
    %dma_wait3A_912 = arith.constant 5 : i32
    %dma_wait3A_913 = arith.constant 5 : i32
    %dma_wait3A_914 = arith.constant 0 : i32
    %dma_wait3A_915 = arith.constant 0 : i32
    %dma_wait3A_916 = tpu.memref_slice %arg4[%dma_wait3A_912, %dma_wait3A_914, %dma_wait3A_915] : memref<7x16x1024xf32, #tpu.memory_space<vmem>> -> memref<1x16x1024xf32, #tpu.memory_space<vmem>>
    %dma_wait3A_917 = tpu.memref_squeeze %dma_wait3A_916 : memref<1x16x1024xf32, #tpu.memory_space<vmem>> -> memref<16x1024xf32, #tpu.memory_space<vmem>>
    %dma_wait3A_918 = arith.constant 0 : i32
    %dma_wait3A_919 = tpu.memref_slice %arg2[%add3A_28, %dma_wait3A_918] : memref<8192x1024xf32, #tpu.memory_space<hbm>> -> memref<16x1024xf32, #tpu.memory_space<hbm>>
    %dma_wait3A_920 = tpu.memref_slice %arg5[%dma_wait3A_913] : memref<7x!tpu.dma_semaphore, #tpu.memory_space<semaphore_mem>> -> memref<1x!tpu.dma_semaphore, #tpu.memory_space<semaphore_mem>>
    %dma_wait3A_921 = tpu.memref_squeeze %dma_wait3A_920 : memref<1x!tpu.dma_semaphore, #tpu.memory_space<semaphore_mem>> -> memref<!tpu.dma_semaphore, #tpu.memory_space<semaphore_mem>>
    %dma_wait3A_922 = arith.constant 0 : i32
    %dma_wait3A_923 = arith.constant 0 : i32
    %dma_wait3A_924 = tpu.memref_slice %arg4[%dma_wait3A_912, %dma_wait3A_922, %dma_wait3A_923] : memref<7x16x1024xf32, #tpu.memory_space<vmem>> -> memref<1x16x1024xf32, #tpu.memory_space<vmem>>
    %dma_wait3A_925 = tpu.memref_squeeze %dma_wait3A_924 : memref<1x16x1024xf32, #tpu.memory_space<vmem>> -> memref<16x1024xf32, #tpu.memory_space<vmem>>
    %dma_wait3A_926 = arith.constant 0 : i32
    %dma_wait3A_927 = tpu.memref_slice %arg2[%add3A_28, %dma_wait3A_926] : memref<8192x1024xf32, #tpu.memory_space<hbm>> -> memref<16x1024xf32, #tpu.memory_space<hbm>>
    tpu.wait_dma2 semaphore(%dma_wait3A_921 : memref<!tpu.dma_semaphore, #tpu.memory_space<semaphore_mem>>) src(%dma_wait3A_927 : memref<16x1024xf32, #tpu.memory_space<hbm>>) dst(%dma_wait3A_925 : memref<16x1024xf32, #tpu.memory_space<vmem>>)
    %dma_start3A_928 = arith.constant 5 : i32
    %dma_start3A_929 = arith.constant 0 : i32
    %dma_start3A_930 = arith.constant 5 : i32
    %dma_start3A_931 = arith.constant 0 : i32
    %dma_start3A_932 = arith.constant 0 : i32
    %dma_start3A_933 = tpu.memref_slice %arg4[%dma_start3A_928, %dma_start3A_931, %dma_start3A_932] : memref<7x16x1024xf32, #tpu.memory_space<vmem>> -> memref<1x16x1024xf32, #tpu.memory_space<vmem>>
    %dma_start3A_934 = tpu.memref_squeeze %dma_start3A_933 : memref<1x16x1024xf32, #tpu.memory_space<vmem>> -> memref<16x1024xf32, #tpu.memory_space<vmem>>
    %dma_start3A_935 = arith.constant 0 : i32
    %dma_start3A_936 = tpu.memref_slice %arg3[%dma_start3A_929, %add3A_60, %dma_start3A_935] : memref<1x8192x1024xf32, #tpu.memory_space<hbm>> -> memref<1x16x1024xf32, #tpu.memory_space<hbm>>
    %dma_start3A_937 = tpu.memref_squeeze %dma_start3A_936 : memref<1x16x1024xf32, #tpu.memory_space<hbm>> -> memref<16x1024xf32, #tpu.memory_space<hbm>>
    %dma_start3A_938 = tpu.memref_slice %arg6[%dma_start3A_930] : memref<7x!tpu.dma_semaphore, #tpu.memory_space<semaphore_mem>> -> memref<1x!tpu.dma_semaphore, #tpu.memory_space<semaphore_mem>>
    %dma_start3A_939 = tpu.memref_squeeze %dma_start3A_938 : memref<1x!tpu.dma_semaphore, #tpu.memory_space<semaphore_mem>> -> memref<!tpu.dma_semaphore, #tpu.memory_space<semaphore_mem>>
    %dma_start3A_940 = arith.constant 0 : i32
    %dma_start3A_941 = tpu.memref_slice %arg3[%dma_start3A_929, %add3A_60, %dma_start3A_940] : memref<1x8192x1024xf32, #tpu.memory_space<hbm>> -> memref<1x16x1024xf32, #tpu.memory_space<hbm>>
    %dma_start3A_942 = tpu.memref_squeeze %dma_start3A_941 : memref<1x16x1024xf32, #tpu.memory_space<hbm>> -> memref<16x1024xf32, #tpu.memory_space<hbm>>
    %dma_start3A_943 = arith.constant 0 : i32
    %dma_start3A_944 = arith.constant 0 : i32
    %dma_start3A_945 = tpu.memref_slice %arg4[%dma_start3A_928, %dma_start3A_943, %dma_start3A_944] : memref<7x16x1024xf32, #tpu.memory_space<vmem>> -> memref<1x16x1024xf32, #tpu.memory_space<vmem>>
    %dma_start3A_946 = tpu.memref_squeeze %dma_start3A_945 : memref<1x16x1024xf32, #tpu.memory_space<vmem>> -> memref<16x1024xf32, #tpu.memory_space<vmem>>
    tpu.enqueue_dma source(%dma_start3A_946 : memref<16x1024xf32, #tpu.memory_space<vmem>>) target(%dma_start3A_942 : memref<16x1024xf32, #tpu.memory_space<hbm>>) target_semaphore(%dma_start3A_939 : memref<!tpu.dma_semaphore, #tpu.memory_space<semaphore_mem>>)
    %dma_wait3A_947 = arith.constant 2 : i32
    %dma_wait3A_948 = arith.constant 0 : i32
    %dma_wait3A_949 = arith.constant 2 : i32
    %dma_wait3A_950 = arith.constant 0 : i32
    %dma_wait3A_951 = arith.constant 0 : i32
    %dma_wait3A_952 = tpu.memref_slice %arg4[%dma_wait3A_947, %dma_wait3A_950, %dma_wait3A_951] : memref<7x16x1024xf32, #tpu.memory_space<vmem>> -> memref<1x16x1024xf32, #tpu.memory_space<vmem>>
    %dma_wait3A_953 = tpu.memref_squeeze %dma_wait3A_952 : memref<1x16x1024xf32, #tpu.memory_space<vmem>> -> memref<16x1024xf32, #tpu.memory_space<vmem>>
    %dma_wait3A_954 = arith.constant 0 : i32
    %dma_wait3A_955 = tpu.memref_slice %arg3[%dma_wait3A_948, %add3A_54, %dma_wait3A_954] : memref<1x8192x1024xf32, #tpu.memory_space<hbm>> -> memref<1x16x1024xf32, #tpu.memory_space<hbm>>
    %dma_wait3A_956 = tpu.memref_squeeze %dma_wait3A_955 : memref<1x16x1024xf32, #tpu.memory_space<hbm>> -> memref<16x1024xf32, #tpu.memory_space<hbm>>
    %dma_wait3A_957 = tpu.memref_slice %arg6[%dma_wait3A_949] : memref<7x!tpu.dma_semaphore, #tpu.memory_space<semaphore_mem>> -> memref<1x!tpu.dma_semaphore, #tpu.memory_space<semaphore_mem>>
    %dma_wait3A_958 = tpu.memref_squeeze %dma_wait3A_957 : memref<1x!tpu.dma_semaphore, #tpu.memory_space<semaphore_mem>> -> memref<!tpu.dma_semaphore, #tpu.memory_space<semaphore_mem>>
    %dma_wait3A_959 = arith.constant 0 : i32
    %dma_wait3A_960 = tpu.memref_slice %arg3[%dma_wait3A_948, %add3A_54, %dma_wait3A_959] : memref<1x8192x1024xf32, #tpu.memory_space<hbm>> -> memref<1x16x1024xf32, #tpu.memory_space<hbm>>
    %dma_wait3A_961 = tpu.memref_squeeze %dma_wait3A_960 : memref<1x16x1024xf32, #tpu.memory_space<hbm>> -> memref<16x1024xf32, #tpu.memory_space<hbm>>
    %dma_wait3A_962 = arith.constant 0 : i32
    %dma_wait3A_963 = arith.constant 0 : i32
    %dma_wait3A_964 = tpu.memref_slice %arg4[%dma_wait3A_947, %dma_wait3A_962, %dma_wait3A_963] : memref<7x16x1024xf32, #tpu.memory_space<vmem>> -> memref<1x16x1024xf32, #tpu.memory_space<vmem>>
    %dma_wait3A_965 = tpu.memref_squeeze %dma_wait3A_964 : memref<1x16x1024xf32, #tpu.memory_space<vmem>> -> memref<16x1024xf32, #tpu.memory_space<vmem>>
    tpu.wait_dma2 semaphore(%dma_wait3A_958 : memref<!tpu.dma_semaphore, #tpu.memory_space<semaphore_mem>>) src(%dma_wait3A_965 : memref<16x1024xf32, #tpu.memory_space<vmem>>) dst(%dma_wait3A_961 : memref<16x1024xf32, #tpu.memory_space<hbm>>)
    %dma_wait3A_966 = arith.constant 6 : i32
    %dma_wait3A_967 = arith.constant 6 : i32
    %dma_wait3A_968 = arith.constant 0 : i32
    %dma_wait3A_969 = arith.constant 0 : i32
    %dma_wait3A_970 = tpu.memref_slice %arg4[%dma_wait3A_966, %dma_wait3A_968, %dma_wait3A_969] : memref<7x16x1024xf32, #tpu.memory_space<vmem>> -> memref<1x16x1024xf32, #tpu.memory_space<vmem>>
    %dma_wait3A_971 = tpu.memref_squeeze %dma_wait3A_970 : memref<1x16x1024xf32, #tpu.memory_space<vmem>> -> memref<16x1024xf32, #tpu.memory_space<vmem>>
    %dma_wait3A_972 = arith.constant 0 : i32
    %dma_wait3A_973 = tpu.memref_slice %arg2[%add3A_30, %dma_wait3A_972] : memref<8192x1024xf32, #tpu.memory_space<hbm>> -> memref<16x1024xf32, #tpu.memory_space<hbm>>
    %dma_wait3A_974 = tpu.memref_slice %arg5[%dma_wait3A_967] : memref<7x!tpu.dma_semaphore, #tpu.memory_space<semaphore_mem>> -> memref<1x!tpu.dma_semaphore, #tpu.memory_space<semaphore_mem>>
    %dma_wait3A_975 = tpu.memref_squeeze %dma_wait3A_974 : memref<1x!tpu.dma_semaphore, #tpu.memory_space<semaphore_mem>> -> memref<!tpu.dma_semaphore, #tpu.memory_space<semaphore_mem>>
    %dma_wait3A_976 = arith.constant 0 : i32
    %dma_wait3A_977 = arith.constant 0 : i32
    %dma_wait3A_978 = tpu.memref_slice %arg4[%dma_wait3A_966, %dma_wait3A_976, %dma_wait3A_977] : memref<7x16x1024xf32, #tpu.memory_space<vmem>> -> memref<1x16x1024xf32, #tpu.memory_space<vmem>>
    %dma_wait3A_979 = tpu.memref_squeeze %dma_wait3A_978 : memref<1x16x1024xf32, #tpu.memory_space<vmem>> -> memref<16x1024xf32, #tpu.memory_space<vmem>>
    %dma_wait3A_980 = arith.constant 0 : i32
    %dma_wait3A_981 = tpu.memref_slice %arg2[%add3A_30, %dma_wait3A_980] : memref<8192x1024xf32, #tpu.memory_space<hbm>> -> memref<16x1024xf32, #tpu.memory_space<hbm>>
    tpu.wait_dma2 semaphore(%dma_wait3A_975 : memref<!tpu.dma_semaphore, #tpu.memory_space<semaphore_mem>>) src(%dma_wait3A_981 : memref<16x1024xf32, #tpu.memory_space<hbm>>) dst(%dma_wait3A_979 : memref<16x1024xf32, #tpu.memory_space<vmem>>)
    %dma_start3A_982 = arith.constant 6 : i32
    %dma_start3A_983 = arith.constant 0 : i32
    %dma_start3A_984 = arith.constant 6 : i32
    %dma_start3A_985 = arith.constant 0 : i32
    %dma_start3A_986 = arith.constant 0 : i32
    %dma_start3A_987 = tpu.memref_slice %arg4[%dma_start3A_982, %dma_start3A_985, %dma_start3A_986] : memref<7x16x1024xf32, #tpu.memory_space<vmem>> -> memref<1x16x1024xf32, #tpu.memory_space<vmem>>
    %dma_start3A_988 = tpu.memref_squeeze %dma_start3A_987 : memref<1x16x1024xf32, #tpu.memory_space<vmem>> -> memref<16x1024xf32, #tpu.memory_space<vmem>>
    %dma_start3A_989 = arith.constant 0 : i32
    %dma_start3A_990 = tpu.memref_slice %arg3[%dma_start3A_983, %add3A_62, %dma_start3A_989] : memref<1x8192x1024xf32, #tpu.memory_space<hbm>> -> memref<1x16x1024xf32, #tpu.memory_space<hbm>>
    %dma_start3A_991 = tpu.memref_squeeze %dma_start3A_990 : memref<1x16x1024xf32, #tpu.memory_space<hbm>> -> memref<16x1024xf32, #tpu.memory_space<hbm>>
    %dma_start3A_992 = tpu.memref_slice %arg6[%dma_start3A_984] : memref<7x!tpu.dma_semaphore, #tpu.memory_space<semaphore_mem>> -> memref<1x!tpu.dma_semaphore, #tpu.memory_space<semaphore_mem>>
    %dma_start3A_993 = tpu.memref_squeeze %dma_start3A_992 : memref<1x!tpu.dma_semaphore, #tpu.memory_space<semaphore_mem>> -> memref<!tpu.dma_semaphore, #tpu.memory_space<semaphore_mem>>
    %dma_start3A_994 = arith.constant 0 : i32
    %dma_start3A_995 = tpu.memref_slice %arg3[%dma_start3A_983, %add3A_62, %dma_start3A_994] : memref<1x8192x1024xf32, #tpu.memory_space<hbm>> -> memref<1x16x1024xf32, #tpu.memory_space<hbm>>
    %dma_start3A_996 = tpu.memref_squeeze %dma_start3A_995 : memref<1x16x1024xf32, #tpu.memory_space<hbm>> -> memref<16x1024xf32, #tpu.memory_space<hbm>>
    %dma_start3A_997 = arith.constant 0 : i32
    %dma_start3A_998 = arith.constant 0 : i32
    %dma_start3A_999 = tpu.memref_slice %arg4[%dma_start3A_982, %dma_start3A_997, %dma_start3A_998] : memref<7x16x1024xf32, #tpu.memory_space<vmem>> -> memref<1x16x1024xf32, #tpu.memory_space<vmem>>
    %dma_start3A_1000 = tpu.memref_squeeze %dma_start3A_999 : memref<1x16x1024xf32, #tpu.memory_space<vmem>> -> memref<16x1024xf32, #tpu.memory_space<vmem>>
    tpu.enqueue_dma source(%dma_start3A_1000 : memref<16x1024xf32, #tpu.memory_space<vmem>>) target(%dma_start3A_996 : memref<16x1024xf32, #tpu.memory_space<hbm>>) target_semaphore(%dma_start3A_993 : memref<!tpu.dma_semaphore, #tpu.memory_space<semaphore_mem>>)
    %dma_wait3A_1001 = arith.constant 3 : i32
    %dma_wait3A_1002 = arith.constant 0 : i32
    %dma_wait3A_1003 = arith.constant 3 : i32
    %dma_wait3A_1004 = arith.constant 0 : i32
    %dma_wait3A_1005 = arith.constant 0 : i32
    %dma_wait3A_1006 = tpu.memref_slice %arg4[%dma_wait3A_1001, %dma_wait3A_1004, %dma_wait3A_1005] : memref<7x16x1024xf32, #tpu.memory_space<vmem>> -> memref<1x16x1024xf32, #tpu.memory_space<vmem>>
    %dma_wait3A_1007 = tpu.memref_squeeze %dma_wait3A_1006 : memref<1x16x1024xf32, #tpu.memory_space<vmem>> -> memref<16x1024xf32, #tpu.memory_space<vmem>>
    %dma_wait3A_1008 = arith.constant 0 : i32
    %dma_wait3A_1009 = tpu.memref_slice %arg3[%dma_wait3A_1002, %add3A_56, %dma_wait3A_1008] : memref<1x8192x1024xf32, #tpu.memory_space<hbm>> -> memref<1x16x1024xf32, #tpu.memory_space<hbm>>
    %dma_wait3A_1010 = tpu.memref_squeeze %dma_wait3A_1009 : memref<1x16x1024xf32, #tpu.memory_space<hbm>> -> memref<16x1024xf32, #tpu.memory_space<hbm>>
    %dma_wait3A_1011 = tpu.memref_slice %arg6[%dma_wait3A_1003] : memref<7x!tpu.dma_semaphore, #tpu.memory_space<semaphore_mem>> -> memref<1x!tpu.dma_semaphore, #tpu.memory_space<semaphore_mem>>
    %dma_wait3A_1012 = tpu.memref_squeeze %dma_wait3A_1011 : memref<1x!tpu.dma_semaphore, #tpu.memory_space<semaphore_mem>> -> memref<!tpu.dma_semaphore, #tpu.memory_space<semaphore_mem>>
    %dma_wait3A_1013 = arith.constant 0 : i32
    %dma_wait3A_1014 = tpu.memref_slice %arg3[%dma_wait3A_1002, %add3A_56, %dma_wait3A_1013] : memref<1x8192x1024xf32, #tpu.memory_space<hbm>> -> memref<1x16x1024xf32, #tpu.memory_space<hbm>>
    %dma_wait3A_1015 = tpu.memref_squeeze %dma_wait3A_1014 : memref<1x16x1024xf32, #tpu.memory_space<hbm>> -> memref<16x1024xf32, #tpu.memory_space<hbm>>
    %dma_wait3A_1016 = arith.constant 0 : i32
    %dma_wait3A_1017 = arith.constant 0 : i32
    %dma_wait3A_1018 = tpu.memref_slice %arg4[%dma_wait3A_1001, %dma_wait3A_1016, %dma_wait3A_1017] : memref<7x16x1024xf32, #tpu.memory_space<vmem>> -> memref<1x16x1024xf32, #tpu.memory_space<vmem>>
    %dma_wait3A_1019 = tpu.memref_squeeze %dma_wait3A_1018 : memref<1x16x1024xf32, #tpu.memory_space<vmem>> -> memref<16x1024xf32, #tpu.memory_space<vmem>>
    tpu.wait_dma2 semaphore(%dma_wait3A_1012 : memref<!tpu.dma_semaphore, #tpu.memory_space<semaphore_mem>>) src(%dma_wait3A_1019 : memref<16x1024xf32, #tpu.memory_space<vmem>>) dst(%dma_wait3A_1015 : memref<16x1024xf32, #tpu.memory_space<hbm>>)
    %dma_wait3A_1020 = arith.constant 0 : i32
    %dma_wait3A_1021 = arith.constant 0 : i32
    %dma_wait3A_1022 = arith.constant 0 : i32
    %dma_wait3A_1023 = arith.constant 0 : i32
    %dma_wait3A_1024 = tpu.memref_slice %arg4[%dma_wait3A_1020, %dma_wait3A_1022, %dma_wait3A_1023] : memref<7x16x1024xf32, #tpu.memory_space<vmem>> -> memref<1x16x1024xf32, #tpu.memory_space<vmem>>
    %dma_wait3A_1025 = tpu.memref_squeeze %dma_wait3A_1024 : memref<1x16x1024xf32, #tpu.memory_space<vmem>> -> memref<16x1024xf32, #tpu.memory_space<vmem>>
    %dma_wait3A_1026 = arith.constant 0 : i32
    %dma_wait3A_1027 = tpu.memref_slice %arg2[%add3A_32, %dma_wait3A_1026] : memref<8192x1024xf32, #tpu.memory_space<hbm>> -> memref<16x1024xf32, #tpu.memory_space<hbm>>
    %dma_wait3A_1028 = tpu.memref_slice %arg5[%dma_wait3A_1021] : memref<7x!tpu.dma_semaphore, #tpu.memory_space<semaphore_mem>> -> memref<1x!tpu.dma_semaphore, #tpu.memory_space<semaphore_mem>>
    %dma_wait3A_1029 = tpu.memref_squeeze %dma_wait3A_1028 : memref<1x!tpu.dma_semaphore, #tpu.memory_space<semaphore_mem>> -> memref<!tpu.dma_semaphore, #tpu.memory_space<semaphore_mem>>
    %dma_wait3A_1030 = arith.constant 0 : i32
    %dma_wait3A_1031 = arith.constant 0 : i32
    %dma_wait3A_1032 = tpu.memref_slice %arg4[%dma_wait3A_1020, %dma_wait3A_1030, %dma_wait3A_1031] : memref<7x16x1024xf32, #tpu.memory_space<vmem>> -> memref<1x16x1024xf32, #tpu.memory_space<vmem>>
    %dma_wait3A_1033 = tpu.memref_squeeze %dma_wait3A_1032 : memref<1x16x1024xf32, #tpu.memory_space<vmem>> -> memref<16x1024xf32, #tpu.memory_space<vmem>>
    %dma_wait3A_1034 = arith.constant 0 : i32
    %dma_wait3A_1035 = tpu.memref_slice %arg2[%add3A_32, %dma_wait3A_1034] : memref<8192x1024xf32, #tpu.memory_space<hbm>> -> memref<16x1024xf32, #tpu.memory_space<hbm>>
    tpu.wait_dma2 semaphore(%dma_wait3A_1029 : memref<!tpu.dma_semaphore, #tpu.memory_space<semaphore_mem>>) src(%dma_wait3A_1035 : memref<16x1024xf32, #tpu.memory_space<hbm>>) dst(%dma_wait3A_1033 : memref<16x1024xf32, #tpu.memory_space<vmem>>)
    %dma_start3A_1036 = arith.constant 0 : i32
    %dma_start3A_1037 = arith.constant 0 : i32
    %dma_start3A_1038 = arith.constant 0 : i32
    %dma_start3A_1039 = arith.constant 0 : i32
    %dma_start3A_1040 = arith.constant 0 : i32
    %dma_start3A_1041 = tpu.memref_slice %arg4[%dma_start3A_1036, %dma_start3A_1039, %dma_start3A_1040] : memref<7x16x1024xf32, #tpu.memory_space<vmem>> -> memref<1x16x1024xf32, #tpu.memory_space<vmem>>
    %dma_start3A_1042 = tpu.memref_squeeze %dma_start3A_1041 : memref<1x16x1024xf32, #tpu.memory_space<vmem>> -> memref<16x1024xf32, #tpu.memory_space<vmem>>
    %dma_start3A_1043 = arith.constant 0 : i32
    %dma_start3A_1044 = tpu.memref_slice %arg3[%dma_start3A_1037, %add3A_64, %dma_start3A_1043] : memref<1x8192x1024xf32, #tpu.memory_space<hbm>> -> memref<1x16x1024xf32, #tpu.memory_space<hbm>>
    %dma_start3A_1045 = tpu.memref_squeeze %dma_start3A_1044 : memref<1x16x1024xf32, #tpu.memory_space<hbm>> -> memref<16x1024xf32, #tpu.memory_space<hbm>>
    %dma_start3A_1046 = tpu.memref_slice %arg6[%dma_start3A_1038] : memref<7x!tpu.dma_semaphore, #tpu.memory_space<semaphore_mem>> -> memref<1x!tpu.dma_semaphore, #tpu.memory_space<semaphore_mem>>
    %dma_start3A_1047 = tpu.memref_squeeze %dma_start3A_1046 : memref<1x!tpu.dma_semaphore, #tpu.memory_space<semaphore_mem>> -> memref<!tpu.dma_semaphore, #tpu.memory_space<semaphore_mem>>
    %dma_start3A_1048 = arith.constant 0 : i32
    %dma_start3A_1049 = tpu.memref_slice %arg3[%dma_start3A_1037, %add3A_64, %dma_start3A_1048] : memref<1x8192x1024xf32, #tpu.memory_space<hbm>> -> memref<1x16x1024xf32, #tpu.memory_space<hbm>>
    %dma_start3A_1050 = tpu.memref_squeeze %dma_start3A_1049 : memref<1x16x1024xf32, #tpu.memory_space<hbm>> -> memref<16x1024xf32, #tpu.memory_space<hbm>>
    %dma_start3A_1051 = arith.constant 0 : i32
    %dma_start3A_1052 = arith.constant 0 : i32
    %dma_start3A_1053 = tpu.memref_slice %arg4[%dma_start3A_1036, %dma_start3A_1051, %dma_start3A_1052] : memref<7x16x1024xf32, #tpu.memory_space<vmem>> -> memref<1x16x1024xf32, #tpu.memory_space<vmem>>
    %dma_start3A_1054 = tpu.memref_squeeze %dma_start3A_1053 : memref<1x16x1024xf32, #tpu.memory_space<vmem>> -> memref<16x1024xf32, #tpu.memory_space<vmem>>
    tpu.enqueue_dma source(%dma_start3A_1054 : memref<16x1024xf32, #tpu.memory_space<vmem>>) target(%dma_start3A_1050 : memref<16x1024xf32, #tpu.memory_space<hbm>>) target_semaphore(%dma_start3A_1047 : memref<!tpu.dma_semaphore, #tpu.memory_space<semaphore_mem>>)
    %dma_wait3A_1055 = arith.constant 4 : i32
    %dma_wait3A_1056 = arith.constant 0 : i32
    %dma_wait3A_1057 = arith.constant 4 : i32
    %dma_wait3A_1058 = arith.constant 0 : i32
    %dma_wait3A_1059 = arith.constant 0 : i32
    %dma_wait3A_1060 = tpu.memref_slice %arg4[%dma_wait3A_1055, %dma_wait3A_1058, %dma_wait3A_1059] : memref<7x16x1024xf32, #tpu.memory_space<vmem>> -> memref<1x16x1024xf32, #tpu.memory_space<vmem>>
    %dma_wait3A_1061 = tpu.memref_squeeze %dma_wait3A_1060 : memref<1x16x1024xf32, #tpu.memory_space<vmem>> -> memref<16x1024xf32, #tpu.memory_space<vmem>>
    %dma_wait3A_1062 = arith.constant 0 : i32
    %dma_wait3A_1063 = tpu.memref_slice %arg3[%dma_wait3A_1056, %add3A_58, %dma_wait3A_1062] : memref<1x8192x1024xf32, #tpu.memory_space<hbm>> -> memref<1x16x1024xf32, #tpu.memory_space<hbm>>
    %dma_wait3A_1064 = tpu.memref_squeeze %dma_wait3A_1063 : memref<1x16x1024xf32, #tpu.memory_space<hbm>> -> memref<16x1024xf32, #tpu.memory_space<hbm>>
    %dma_wait3A_1065 = tpu.memref_slice %arg6[%dma_wait3A_1057] : memref<7x!tpu.dma_semaphore, #tpu.memory_space<semaphore_mem>> -> memref<1x!tpu.dma_semaphore, #tpu.memory_space<semaphore_mem>>
    %dma_wait3A_1066 = tpu.memref_squeeze %dma_wait3A_1065 : memref<1x!tpu.dma_semaphore, #tpu.memory_space<semaphore_mem>> -> memref<!tpu.dma_semaphore, #tpu.memory_space<semaphore_mem>>
    %dma_wait3A_1067 = arith.constant 0 : i32
    %dma_wait3A_1068 = tpu.memref_slice %arg3[%dma_wait3A_1056, %add3A_58, %dma_wait3A_1067] : memref<1x8192x1024xf32, #tpu.memory_space<hbm>> -> memref<1x16x1024xf32, #tpu.memory_space<hbm>>
    %dma_wait3A_1069 = tpu.memref_squeeze %dma_wait3A_1068 : memref<1x16x1024xf32, #tpu.memory_space<hbm>> -> memref<16x1024xf32, #tpu.memory_space<hbm>>
    %dma_wait3A_1070 = arith.constant 0 : i32
    %dma_wait3A_1071 = arith.constant 0 : i32
    %dma_wait3A_1072 = tpu.memref_slice %arg4[%dma_wait3A_1055, %dma_wait3A_1070, %dma_wait3A_1071] : memref<7x16x1024xf32, #tpu.memory_space<vmem>> -> memref<1x16x1024xf32, #tpu.memory_space<vmem>>
    %dma_wait3A_1073 = tpu.memref_squeeze %dma_wait3A_1072 : memref<1x16x1024xf32, #tpu.memory_space<vmem>> -> memref<16x1024xf32, #tpu.memory_space<vmem>>
    tpu.wait_dma2 semaphore(%dma_wait3A_1066 : memref<!tpu.dma_semaphore, #tpu.memory_space<semaphore_mem>>) src(%dma_wait3A_1073 : memref<16x1024xf32, #tpu.memory_space<vmem>>) dst(%dma_wait3A_1069 : memref<16x1024xf32, #tpu.memory_space<hbm>>)
    %dma_wait3A_1074 = arith.constant 1 : i32
    %dma_wait3A_1075 = arith.constant 1 : i32
    %dma_wait3A_1076 = arith.constant 0 : i32
    %dma_wait3A_1077 = arith.constant 0 : i32
    %dma_wait3A_1078 = tpu.memref_slice %arg4[%dma_wait3A_1074, %dma_wait3A_1076, %dma_wait3A_1077] : memref<7x16x1024xf32, #tpu.memory_space<vmem>> -> memref<1x16x1024xf32, #tpu.memory_space<vmem>>
    %dma_wait3A_1079 = tpu.memref_squeeze %dma_wait3A_1078 : memref<1x16x1024xf32, #tpu.memory_space<vmem>> -> memref<16x1024xf32, #tpu.memory_space<vmem>>
    %dma_wait3A_1080 = arith.constant 0 : i32
    %dma_wait3A_1081 = tpu.memref_slice %arg2[%add3A_34, %dma_wait3A_1080] : memref<8192x1024xf32, #tpu.memory_space<hbm>> -> memref<16x1024xf32, #tpu.memory_space<hbm>>
    %dma_wait3A_1082 = tpu.memref_slice %arg5[%dma_wait3A_1075] : memref<7x!tpu.dma_semaphore, #tpu.memory_space<semaphore_mem>> -> memref<1x!tpu.dma_semaphore, #tpu.memory_space<semaphore_mem>>
    %dma_wait3A_1083 = tpu.memref_squeeze %dma_wait3A_1082 : memref<1x!tpu.dma_semaphore, #tpu.memory_space<semaphore_mem>> -> memref<!tpu.dma_semaphore, #tpu.memory_space<semaphore_mem>>
    %dma_wait3A_1084 = arith.constant 0 : i32
    %dma_wait3A_1085 = arith.constant 0 : i32
    %dma_wait3A_1086 = tpu.memref_slice %arg4[%dma_wait3A_1074, %dma_wait3A_1084, %dma_wait3A_1085] : memref<7x16x1024xf32, #tpu.memory_space<vmem>> -> memref<1x16x1024xf32, #tpu.memory_space<vmem>>
    %dma_wait3A_1087 = tpu.memref_squeeze %dma_wait3A_1086 : memref<1x16x1024xf32, #tpu.memory_space<vmem>> -> memref<16x1024xf32, #tpu.memory_space<vmem>>
    %dma_wait3A_1088 = arith.constant 0 : i32
    %dma_wait3A_1089 = tpu.memref_slice %arg2[%add3A_34, %dma_wait3A_1088] : memref<8192x1024xf32, #tpu.memory_space<hbm>> -> memref<16x1024xf32, #tpu.memory_space<hbm>>
    tpu.wait_dma2 semaphore(%dma_wait3A_1083 : memref<!tpu.dma_semaphore, #tpu.memory_space<semaphore_mem>>) src(%dma_wait3A_1089 : memref<16x1024xf32, #tpu.memory_space<hbm>>) dst(%dma_wait3A_1087 : memref<16x1024xf32, #tpu.memory_space<vmem>>)
    %dma_start3A_1090 = arith.constant 1 : i32
    %dma_start3A_1091 = arith.constant 0 : i32
    %dma_start3A_1092 = arith.constant 1 : i32
    %dma_start3A_1093 = arith.constant 0 : i32
    %dma_start3A_1094 = arith.constant 0 : i32
    %dma_start3A_1095 = tpu.memref_slice %arg4[%dma_start3A_1090, %dma_start3A_1093, %dma_start3A_1094] : memref<7x16x1024xf32, #tpu.memory_space<vmem>> -> memref<1x16x1024xf32, #tpu.memory_space<vmem>>
    %dma_start3A_1096 = tpu.memref_squeeze %dma_start3A_1095 : memref<1x16x1024xf32, #tpu.memory_space<vmem>> -> memref<16x1024xf32, #tpu.memory_space<vmem>>
    %dma_start3A_1097 = arith.constant 0 : i32
    %dma_start3A_1098 = tpu.memref_slice %arg3[%dma_start3A_1091, %add3A_66, %dma_start3A_1097] : memref<1x8192x1024xf32, #tpu.memory_space<hbm>> -> memref<1x16x1024xf32, #tpu.memory_space<hbm>>
    %dma_start3A_1099 = tpu.memref_squeeze %dma_start3A_1098 : memref<1x16x1024xf32, #tpu.memory_space<hbm>> -> memref<16x1024xf32, #tpu.memory_space<hbm>>
    %dma_start3A_1100 = tpu.memref_slice %arg6[%dma_start3A_1092] : memref<7x!tpu.dma_semaphore, #tpu.memory_space<semaphore_mem>> -> memref<1x!tpu.dma_semaphore, #tpu.memory_space<semaphore_mem>>
    %dma_start3A_1101 = tpu.memref_squeeze %dma_start3A_1100 : memref<1x!tpu.dma_semaphore, #tpu.memory_space<semaphore_mem>> -> memref<!tpu.dma_semaphore, #tpu.memory_space<semaphore_mem>>
    %dma_start3A_1102 = arith.constant 0 : i32
    %dma_start3A_1103 = tpu.memref_slice %arg3[%dma_start3A_1091, %add3A_66, %dma_start3A_1102] : memref<1x8192x1024xf32, #tpu.memory_space<hbm>> -> memref<1x16x1024xf32, #tpu.memory_space<hbm>>
    %dma_start3A_1104 = tpu.memref_squeeze %dma_start3A_1103 : memref<1x16x1024xf32, #tpu.memory_space<hbm>> -> memref<16x1024xf32, #tpu.memory_space<hbm>>
    %dma_start3A_1105 = arith.constant 0 : i32
    %dma_start3A_1106 = arith.constant 0 : i32
    %dma_start3A_1107 = tpu.memref_slice %arg4[%dma_start3A_1090, %dma_start3A_1105, %dma_start3A_1106] : memref<7x16x1024xf32, #tpu.memory_space<vmem>> -> memref<1x16x1024xf32, #tpu.memory_space<vmem>>
    %dma_start3A_1108 = tpu.memref_squeeze %dma_start3A_1107 : memref<1x16x1024xf32, #tpu.memory_space<vmem>> -> memref<16x1024xf32, #tpu.memory_space<vmem>>
    tpu.enqueue_dma source(%dma_start3A_1108 : memref<16x1024xf32, #tpu.memory_space<vmem>>) target(%dma_start3A_1104 : memref<16x1024xf32, #tpu.memory_space<hbm>>) target_semaphore(%dma_start3A_1101 : memref<!tpu.dma_semaphore, #tpu.memory_space<semaphore_mem>>)
    %dma_wait3A_1109 = arith.constant 5 : i32
    %dma_wait3A_1110 = arith.constant 0 : i32
    %dma_wait3A_1111 = arith.constant 5 : i32
    %dma_wait3A_1112 = arith.constant 0 : i32
    %dma_wait3A_1113 = arith.constant 0 : i32
    %dma_wait3A_1114 = tpu.memref_slice %arg4[%dma_wait3A_1109, %dma_wait3A_1112, %dma_wait3A_1113] : memref<7x16x1024xf32, #tpu.memory_space<vmem>> -> memref<1x16x1024xf32, #tpu.memory_space<vmem>>
    %dma_wait3A_1115 = tpu.memref_squeeze %dma_wait3A_1114 : memref<1x16x1024xf32, #tpu.memory_space<vmem>> -> memref<16x1024xf32, #tpu.memory_space<vmem>>
    %dma_wait3A_1116 = arith.constant 0 : i32
    %dma_wait3A_1117 = tpu.memref_slice %arg3[%dma_wait3A_1110, %add3A_60, %dma_wait3A_1116] : memref<1x8192x1024xf32, #tpu.memory_space<hbm>> -> memref<1x16x1024xf32, #tpu.memory_space<hbm>>
    %dma_wait3A_1118 = tpu.memref_squeeze %dma_wait3A_1117 : memref<1x16x1024xf32, #tpu.memory_space<hbm>> -> memref<16x1024xf32, #tpu.memory_space<hbm>>
    %dma_wait3A_1119 = tpu.memref_slice %arg6[%dma_wait3A_1111] : memref<7x!tpu.dma_semaphore, #tpu.memory_space<semaphore_mem>> -> memref<1x!tpu.dma_semaphore, #tpu.memory_space<semaphore_mem>>
    %dma_wait3A_1120 = tpu.memref_squeeze %dma_wait3A_1119 : memref<1x!tpu.dma_semaphore, #tpu.memory_space<semaphore_mem>> -> memref<!tpu.dma_semaphore, #tpu.memory_space<semaphore_mem>>
    %dma_wait3A_1121 = arith.constant 0 : i32
    %dma_wait3A_1122 = tpu.memref_slice %arg3[%dma_wait3A_1110, %add3A_60, %dma_wait3A_1121] : memref<1x8192x1024xf32, #tpu.memory_space<hbm>> -> memref<1x16x1024xf32, #tpu.memory_space<hbm>>
    %dma_wait3A_1123 = tpu.memref_squeeze %dma_wait3A_1122 : memref<1x16x1024xf32, #tpu.memory_space<hbm>> -> memref<16x1024xf32, #tpu.memory_space<hbm>>
    %dma_wait3A_1124 = arith.constant 0 : i32
    %dma_wait3A_1125 = arith.constant 0 : i32
    %dma_wait3A_1126 = tpu.memref_slice %arg4[%dma_wait3A_1109, %dma_wait3A_1124, %dma_wait3A_1125] : memref<7x16x1024xf32, #tpu.memory_space<vmem>> -> memref<1x16x1024xf32, #tpu.memory_space<vmem>>
    %dma_wait3A_1127 = tpu.memref_squeeze %dma_wait3A_1126 : memref<1x16x1024xf32, #tpu.memory_space<vmem>> -> memref<16x1024xf32, #tpu.memory_space<vmem>>
    tpu.wait_dma2 semaphore(%dma_wait3A_1120 : memref<!tpu.dma_semaphore, #tpu.memory_space<semaphore_mem>>) src(%dma_wait3A_1127 : memref<16x1024xf32, #tpu.memory_space<vmem>>) dst(%dma_wait3A_1123 : memref<16x1024xf32, #tpu.memory_space<hbm>>)
    %dma_wait3A_1128 = arith.constant 6 : i32
    %dma_wait3A_1129 = arith.constant 0 : i32
    %dma_wait3A_1130 = arith.constant 6 : i32
    %dma_wait3A_1131 = arith.constant 0 : i32
    %dma_wait3A_1132 = arith.constant 0 : i32
    %dma_wait3A_1133 = tpu.memref_slice %arg4[%dma_wait3A_1128, %dma_wait3A_1131, %dma_wait3A_1132] : memref<7x16x1024xf32, #tpu.memory_space<vmem>> -> memref<1x16x1024xf32, #tpu.memory_space<vmem>>
    %dma_wait3A_1134 = tpu.memref_squeeze %dma_wait3A_1133 : memref<1x16x1024xf32, #tpu.memory_space<vmem>> -> memref<16x1024xf32, #tpu.memory_space<vmem>>
    %dma_wait3A_1135 = arith.constant 0 : i32
    %dma_wait3A_1136 = tpu.memref_slice %arg3[%dma_wait3A_1129, %add3A_62, %dma_wait3A_1135] : memref<1x8192x1024xf32, #tpu.memory_space<hbm>> -> memref<1x16x1024xf32, #tpu.memory_space<hbm>>
    %dma_wait3A_1137 = tpu.memref_squeeze %dma_wait3A_1136 : memref<1x16x1024xf32, #tpu.memory_space<hbm>> -> memref<16x1024xf32, #tpu.memory_space<hbm>>
    %dma_wait3A_1138 = tpu.memref_slice %arg6[%dma_wait3A_1130] : memref<7x!tpu.dma_semaphore, #tpu.memory_space<semaphore_mem>> -> memref<1x!tpu.dma_semaphore, #tpu.memory_space<semaphore_mem>>
    %dma_wait3A_1139 = tpu.memref_squeeze %dma_wait3A_1138 : memref<1x!tpu.dma_semaphore, #tpu.memory_space<semaphore_mem>> -> memref<!tpu.dma_semaphore, #tpu.memory_space<semaphore_mem>>
    %dma_wait3A_1140 = arith.constant 0 : i32
    %dma_wait3A_1141 = tpu.memref_slice %arg3[%dma_wait3A_1129, %add3A_62, %dma_wait3A_1140] : memref<1x8192x1024xf32, #tpu.memory_space<hbm>> -> memref<1x16x1024xf32, #tpu.memory_space<hbm>>
    %dma_wait3A_1142 = tpu.memref_squeeze %dma_wait3A_1141 : memref<1x16x1024xf32, #tpu.memory_space<hbm>> -> memref<16x1024xf32, #tpu.memory_space<hbm>>
    %dma_wait3A_1143 = arith.constant 0 : i32
    %dma_wait3A_1144 = arith.constant 0 : i32
    %dma_wait3A_1145 = tpu.memref_slice %arg4[%dma_wait3A_1128, %dma_wait3A_1143, %dma_wait3A_1144] : memref<7x16x1024xf32, #tpu.memory_space<vmem>> -> memref<1x16x1024xf32, #tpu.memory_space<vmem>>
    %dma_wait3A_1146 = tpu.memref_squeeze %dma_wait3A_1145 : memref<1x16x1024xf32, #tpu.memory_space<vmem>> -> memref<16x1024xf32, #tpu.memory_space<vmem>>
    tpu.wait_dma2 semaphore(%dma_wait3A_1139 : memref<!tpu.dma_semaphore, #tpu.memory_space<semaphore_mem>>) src(%dma_wait3A_1146 : memref<16x1024xf32, #tpu.memory_space<vmem>>) dst(%dma_wait3A_1142 : memref<16x1024xf32, #tpu.memory_space<hbm>>)
    %dma_wait3A_1147 = arith.constant 0 : i32
    %dma_wait3A_1148 = arith.constant 0 : i32
    %dma_wait3A_1149 = arith.constant 0 : i32
    %dma_wait3A_1150 = arith.constant 0 : i32
    %dma_wait3A_1151 = arith.constant 0 : i32
    %dma_wait3A_1152 = tpu.memref_slice %arg4[%dma_wait3A_1147, %dma_wait3A_1150, %dma_wait3A_1151] : memref<7x16x1024xf32, #tpu.memory_space<vmem>> -> memref<1x16x1024xf32, #tpu.memory_space<vmem>>
    %dma_wait3A_1153 = tpu.memref_squeeze %dma_wait3A_1152 : memref<1x16x1024xf32, #tpu.memory_space<vmem>> -> memref<16x1024xf32, #tpu.memory_space<vmem>>
    %dma_wait3A_1154 = arith.constant 0 : i32
    %dma_wait3A_1155 = tpu.memref_slice %arg3[%dma_wait3A_1148, %add3A_64, %dma_wait3A_1154] : memref<1x8192x1024xf32, #tpu.memory_space<hbm>> -> memref<1x16x1024xf32, #tpu.memory_space<hbm>>
    %dma_wait3A_1156 = tpu.memref_squeeze %dma_wait3A_1155 : memref<1x16x1024xf32, #tpu.memory_space<hbm>> -> memref<16x1024xf32, #tpu.memory_space<hbm>>
    %dma_wait3A_1157 = tpu.memref_slice %arg6[%dma_wait3A_1149] : memref<7x!tpu.dma_semaphore, #tpu.memory_space<semaphore_mem>> -> memref<1x!tpu.dma_semaphore, #tpu.memory_space<semaphore_mem>>
    %dma_wait3A_1158 = tpu.memref_squeeze %dma_wait3A_1157 : memref<1x!tpu.dma_semaphore, #tpu.memory_space<semaphore_mem>> -> memref<!tpu.dma_semaphore, #tpu.memory_space<semaphore_mem>>
    %dma_wait3A_1159 = arith.constant 0 : i32
    %dma_wait3A_1160 = tpu.memref_slice %arg3[%dma_wait3A_1148, %add3A_64, %dma_wait3A_1159] : memref<1x8192x1024xf32, #tpu.memory_space<hbm>> -> memref<1x16x1024xf32, #tpu.memory_space<hbm>>
    %dma_wait3A_1161 = tpu.memref_squeeze %dma_wait3A_1160 : memref<1x16x1024xf32, #tpu.memory_space<hbm>> -> memref<16x1024xf32, #tpu.memory_space<hbm>>
    %dma_wait3A_1162 = arith.constant 0 : i32
    %dma_wait3A_1163 = arith.constant 0 : i32
    %dma_wait3A_1164 = tpu.memref_slice %arg4[%dma_wait3A_1147, %dma_wait3A_1162, %dma_wait3A_1163] : memref<7x16x1024xf32, #tpu.memory_space<vmem>> -> memref<1x16x1024xf32, #tpu.memory_space<vmem>>
    %dma_wait3A_1165 = tpu.memref_squeeze %dma_wait3A_1164 : memref<1x16x1024xf32, #tpu.memory_space<vmem>> -> memref<16x1024xf32, #tpu.memory_space<vmem>>
    tpu.wait_dma2 semaphore(%dma_wait3A_1158 : memref<!tpu.dma_semaphore, #tpu.memory_space<semaphore_mem>>) src(%dma_wait3A_1165 : memref<16x1024xf32, #tpu.memory_space<vmem>>) dst(%dma_wait3A_1161 : memref<16x1024xf32, #tpu.memory_space<hbm>>)
    %dma_wait3A_1166 = arith.constant 1 : i32
    %dma_wait3A_1167 = arith.constant 0 : i32
    %dma_wait3A_1168 = arith.constant 1 : i32
    %dma_wait3A_1169 = arith.constant 0 : i32
    %dma_wait3A_1170 = arith.constant 0 : i32
    %dma_wait3A_1171 = tpu.memref_slice %arg4[%dma_wait3A_1166, %dma_wait3A_1169, %dma_wait3A_1170] : memref<7x16x1024xf32, #tpu.memory_space<vmem>> -> memref<1x16x1024xf32, #tpu.memory_space<vmem>>
    %dma_wait3A_1172 = tpu.memref_squeeze %dma_wait3A_1171 : memref<1x16x1024xf32, #tpu.memory_space<vmem>> -> memref<16x1024xf32, #tpu.memory_space<vmem>>
    %dma_wait3A_1173 = arith.constant 0 : i32
    %dma_wait3A_1174 = tpu.memref_slice %arg3[%dma_wait3A_1167, %add3A_66, %dma_wait3A_1173] : memref<1x8192x1024xf32, #tpu.memory_space<hbm>> -> memref<1x16x1024xf32, #tpu.memory_space<hbm>>
    %dma_wait3A_1175 = tpu.memref_squeeze %dma_wait3A_1174 : memref<1x16x1024xf32, #tpu.memory_space<hbm>> -> memref<16x1024xf32, #tpu.memory_space<hbm>>
    %dma_wait3A_1176 = tpu.memref_slice %arg6[%dma_wait3A_1168] : memref<7x!tpu.dma_semaphore, #tpu.memory_space<semaphore_mem>> -> memref<1x!tpu.dma_semaphore, #tpu.memory_space<semaphore_mem>>
    %dma_wait3A_1177 = tpu.memref_squeeze %dma_wait3A_1176 : memref<1x!tpu.dma_semaphore, #tpu.memory_space<semaphore_mem>> -> memref<!tpu.dma_semaphore, #tpu.memory_space<semaphore_mem>>
    %dma_wait3A_1178 = arith.constant 0 : i32
    %dma_wait3A_1179 = tpu.memref_slice %arg3[%dma_wait3A_1167, %add3A_66, %dma_wait3A_1178] : memref<1x8192x1024xf32, #tpu.memory_space<hbm>> -> memref<1x16x1024xf32, #tpu.memory_space<hbm>>
    %dma_wait3A_1180 = tpu.memref_squeeze %dma_wait3A_1179 : memref<1x16x1024xf32, #tpu.memory_space<hbm>> -> memref<16x1024xf32, #tpu.memory_space<hbm>>
    %dma_wait3A_1181 = arith.constant 0 : i32
    %dma_wait3A_1182 = arith.constant 0 : i32
    %dma_wait3A_1183 = tpu.memref_slice %arg4[%dma_wait3A_1166, %dma_wait3A_1181, %dma_wait3A_1182] : memref<7x16x1024xf32, #tpu.memory_space<vmem>> -> memref<1x16x1024xf32, #tpu.memory_space<vmem>>
    %dma_wait3A_1184 = tpu.memref_squeeze %dma_wait3A_1183 : memref<1x16x1024xf32, #tpu.memory_space<vmem>> -> memref<16x1024xf32, #tpu.memory_space<vmem>>
    tpu.wait_dma2 semaphore(%dma_wait3A_1177 : memref<!tpu.dma_semaphore, #tpu.memory_space<semaphore_mem>>) src(%dma_wait3A_1184 : memref<16x1024xf32, #tpu.memory_space<vmem>>) dst(%dma_wait3A_1180 : memref<16x1024xf32, #tpu.memory_space<hbm>>)
    return
  }
}

</mosaic_0001>

<sc_bundles>
// kernel: kernel.3.cloned.1.call-start
scs
__scs_entry_jumppad:
0x0: {  	(pc) =	sbr.rel $0x88, $3  }
0x1: {  	(tag) =	ssettag $0x0;
	lr =	simm.s32 $0x1  }
0x2: {  	[smem:$0x3FA0] =	sst lr;
	_ =	strace $0xD0000000  }
0x3: {  	_ = 	snop  }
0x4: {  	_ = 	snop  }
0x5: {  	_ = 	snop  }
0x6: {  	_ = 	snop  }
0x7: {  	_ = 	snop  }
__scs_overlays_trampoline_lowered:
0x8: {  	[smem:$0x3FAF] =	sst s0  }
0x9: {  	[smem:$0x3FB0] =	sst s1  }
0xa: {  	[smem:$0x3FB1] =	sst s2  }
0xb: {  	[smem:$0x3FB2] =	sst s3  }
0xc: {  	[smem:$0x3FB3] =	sst s4  }
0xd: {  	[smem:$0x3FB4] =	sst s5  }
0xe: {  	[smem:$0x3FB5] =	sst s6  }
0xf: {  	[smem:$0x3FB6] =	sst s7  }
0x10: {  	[smem:$0x3FB7] =	sst s8  }
0x11: {  	[smem:$0x3FB8] =	sst s9;
	s0 =	simm.s32 @!p0 $0x0  }
0x12: {  	s1 =	sld [smem:$0x3F9E];
	s0 =	simm.s32 @p0 $0x1  }
0x13: {  	[smem:$0x3FB9] =	sst s0;
	s0 =	simm.s32 @!p1 $0x0  }
0x14: {  	s2 =	sld [smem:$0x3F9D];
	s0 =	simm.s32 @p1 $0x1  }
0x15: {  	[smem:$0x3FBA] =	sst s0;
	s0 =	simm.s32 @!p2 $0x0  }
0x16: {  	s3 =	sld [smem:$0x3FDB];
	s0 =	simm.s32 @p2 $0x1  }
0x17: {  	s4 =	simm.s32 $0x1BF5;
	[smem:$0x3FBC] =	sst s0  }
0x18: {  	s0 =	sld [smem:$0x3F9F];
	_ =	swait.ge [sflag:s4], $0x0  }
0x19: {  	s7 =	sld [smem:$0x3FA0]  }
0x1a: {  	s8 =	sadd.s32 $0xFFFFE003, lr  }
0x1b: {  	s9 =	sadd.s32 $0xFFFFFEF7, lr;
	s5 =	simm.s32 $0xFFFFFFFF;
	p2 =	slt.u32 s8, $0xFFFFF086  }
0x1c: {  	p1 =	slt.u32 s9, $0xF7A;
	s5 =	simm.s32 @!p2 $0x0  }
0x1d: {  	s5 =	simm.s32 @p1 $0x1;
	p0 =	seq.s32 s7, s2  }
0x1e: {  	s7 =	smul.u32 @!p0 $0xF7A, s2;
	p2 =	seq.s32 @!p0 s5, $0x0  }
0x1f: {  	s9 =	smul.u32 $0xF7A, s1;
	s8 =	simm.s32 @!p0 $0x1BF5;
	p2 =	por !p2, p0  }
0x20: {  	[sflag:s8] =	ssyncset.s32 @!p0 $0xFFFFF086;
	s6 =	sadd.s32 @!p0 s3, s7;
	s7 =	simm.s32 @!p0 $0x108  }
0x21: {  	s3 =	sadd.s32 s3, s9;
	s6 =	sadd.s32 @!p0 $0x88, s6;
	s7 =	simm.s32 @p2 $0x1082  }
0x22: {  	[simem:s7], [sflag:s8] =	dma.local @!p0 [hbm:s6], $0xF7A  }
0x23: {  	s9 =	sor.u32 $0xD0000000, s2;
	s6 =	simm.s32 $0x108;
	_ =	swait.ge @!p0 [sflag:s8], $0x0  }
0x24: {  	s3 =	sadd.s32 $0x88, s3;
	s6 =	simm.s32 @!p1 $0x1082;
	[sflag:s4] =	ssyncset.s32 $0xFFFFF086  }
0x25: {  	[simem:s6], [sflag:s4] =	dma.local [hbm:s3], $0xF7A  }
0x26: {  	[smem:$0x3FA0] =	sst s1;
	(tag) =	ssettag s2;
	_ =	strace s9  }
0x27: {  	s1 =	sld [smem:$0x3FB0]  }
0x28: {  	s2 =	sld [smem:$0x3FB1]  }
0x29: {  	s4 =	sld [smem:$0x3FB3]  }
0x2a: {  	p0 =	seq.s32 s5, $0x0;
	s5 =	sld [smem:$0x3FB4]  }
0x2b: {  	s6 =	sld [smem:$0x3FB5]  }
0x2c: {  	s7 =	sld [smem:$0x3FB6]  }
0x2d: {  	s3 =	simm.s32 $0x108;
	s8 =	sld [smem:$0x3FB7]  }
0x2e: {  	s3 =	simm.s32 @!p0 $0x1082;
	s9 =	sld [smem:$0x3FB8]  }
0x2f: {  	lr =	sadd.s32 s0, s3;
	s0 =	sld [smem:$0x3FAF]  }
0x30: {  	s3 =	sld [smem:$0x3FB2]  }
0x31: {  	[smem:$0x3FBB] =	sst s10  }
0x32: {  	s10 =	sld [smem:$0x3FB9];
	_ =	sdelay $0x3  }
0x33: {  	p0 =	seq.s32 s10, $0x1;
	s10 =	sld [smem:$0x3FBB];
	_ =	sdelay $0x3  }
0x34: {  	[smem:$0x3FBB] =	sst s10  }
0x35: {  	s10 =	sld [smem:$0x3FBA];
	_ =	sdelay $0x3  }
0x36: {  	p1 =	seq.s32 s10, $0x1;
	s10 =	sld [smem:$0x3FBB];
	_ =	sdelay $0x3  }
0x37: {  	[smem:$0x3FBB] =	sst s10  }
0x38: {  	s10 =	sld [smem:$0x3FBC]  }
0x39: {  	_ = 	snop;
	(pc) =	sbr.ind lr, $3  }
0x3a: {  	_ = 	snop  }
0x3b: {  	_ = 	snop  }
0x3c: {  	p2 =	seq.s32 s10, $0x1;
	s10 =	sld [smem:$0x3FBB]  }
0x3d: {  	_ =	shalt  }
0x3e: {  	_ =	shalt  }
0x3f: {  	_ =	shalt  }
0x40: {  	_ =	shalt  }
0x41: {  	_ =	shalt  }
0x42: {  	_ =	shalt  }
0x43: {  	_ =	shalt  }
0x44: {  	_ =	shalt  }
0x45: {  	_ =	shalt  }
0x46: {  	_ =	shalt  }
0x47: {  	_ =	shalt  }
0x48: {  	_ =	shalt  }
0x49: {  	_ =	shalt  }
0x4a: {  	_ =	shalt  }
0x4b: {  	_ =	shalt  }
0x4c: {  	_ =	shalt  }
0x4d: {  	_ =	shalt  }
0x4e: {  	_ =	shalt  }
0x4f: {  	_ =	shalt  }
0x50: {  	_ =	shalt  }
0x51: {  	_ =	shalt  }
0x52: {  	_ =	shalt  }
0x53: {  	_ =	shalt  }
0x54: {  	_ =	shalt  }
0x55: {  	_ =	shalt  }
0x56: {  	_ =	shalt  }
0x57: {  	_ =	shalt  }
0x58: {  	_ =	shalt  }
0x59: {  	_ =	shalt  }
0x5a: {  	_ =	shalt  }
0x5b: {  	_ =	shalt  }
0x5c: {  	_ =	shalt  }
0x5d: {  	_ =	shalt  }
0x5e: {  	_ =	shalt  }
0x5f: {  	_ =	shalt  }
0x60: {  	_ =	shalt  }
0x61: {  	_ =	shalt  }
0x62: {  	_ =	shalt  }
0x63: {  	_ =	shalt  }
0x64: {  	_ =	shalt  }
0x65: {  	_ =	shalt  }
0x66: {  	_ =	shalt  }
0x67: {  	_ =	shalt  }
0x68: {  	_ =	shalt  }
0x69: {  	_ =	shalt  }
0x6a: {  	_ =	shalt  }
0x6b: {  	_ =	shalt  }
0x6c: {  	_ =	shalt  }
0x6d: {  	_ =	shalt  }
0x6e: {  	_ =	shalt  }
0x6f: {  	_ =	shalt  }
0x70: {  	_ =	shalt  }
0x71: {  	_ =	shalt  }
0x72: {  	_ =	shalt  }
0x73: {  	_ =	shalt  }
0x74: {  	_ =	shalt  }
0x75: {  	_ =	shalt  }
0x76: {  	_ =	shalt  }
0x77: {  	_ =	shalt  }
0x78: {  	_ =	shalt  }
0x79: {  	_ =	shalt  }
0x7a: {  	_ =	shalt  }
0x7b: {  	_ =	shalt  }
0x7c: {  	_ =	shalt  }
0x7d: {  	_ =	shalt  }
0x7e: {  	_ =	shalt  }
0x7f: {  	_ =	shalt  }
0x80: {  	_ =	shalt  }
0x81: {  	_ =	shalt  }
0x82: {  	_ =	shalt  }
0x83: {  	_ =	shalt  }
0x84: {  	_ =	shalt  }
0x85: {  	_ =	shalt  }
0x86: {  	_ =	shalt  }
0x87: {  	_ =	shalt  }
.Lfunc_end0:
.L_simem_size_0:
called_computation_lowered:
.L_overlay_start_0:
0x88: {  	s2 =	sld [smem:$0x3FD9]  }
0x89: {  	s3 =	sld [smem:$0x3FFE];
	_ =	sdelay $0x1  }
0x8a: {  	s1 =	srdreg.scid  }
0x8b: {  	s0 =	sand.u32 $0x1, s1  }
0x8c: {  	s18 =	sshll.u32 s0, $0xA;
	s2 =	sadd.s32 s3, s2  }
0x8d: {  	s2 =	sadd.s32 s2, s18  }
0x8e: {  	[smem:$0x3FC7] =	sst s2  }
0x8f: {  	_ = 	snop  }
0x90: {  	s2 =	sld [smem:$0x3FC9]  }
0x91: {  	s19 =	sld [smem:$0x3FD0];
	(tm) =	ssettm $0x1  }
0x92: {  	s4 =	sld [smem:$0x3FFB];
	_ =	sdelay $0x3  }
0x93: {  	_ =	strace s4  }
0x94: {  	s4 =	sld [smem:$0x3FFC];
	_ =	sdelay $0x3  }
0x95: {  	_ =	strace s4  }
0x96: {  	s4 =	sld [smem:$0x3FFD];
	_ =	sdelay $0x3  }
0x97: {  	_ =	strace s4  }
0x98: {  	_ =	strace $0x8FFFFFFF  }
0x99: {  	s20 =	sld [smem:$0x3FDB];
	_ =	sdelay $0x1  }
0x9a: {  	s5 =	simm.s32 $_scs_section_size  }
0x9b: {  	s6 =	simm.s32 $_size__tile_overlayer_lowered;
	s7 =	simm.s32 $_tile_overlayer_lowered  }
0x9c: {  	s23 =	simm.s32 $0x1BFF;
	s22 =	sshll.u32 s7, $0x1;
	s4 =	sadd.s32 s5, s20  }
0x9d: {  	s8 =	simm.s32 $0x0;
	s21 =	sshll.u32 s6, $0x1;
	s6 =	sadd.s32 s22, s4  }
0x9e: {  	[timem:s8], [sflag:s23] =	dma.local [hbm:s6], s21  }
0x9f: {  	_ =	swait.ge [sflag:s23], s21  }
0xa0: {  	s5 =	ssub.s32 $0x0, s21;
	[sflag:s23] =	ssyncset.done $0x0  }
0xa1: {  	[sflag:s23] =	ssyncadd.s32 s5;
	_ =	sdelay $0x1  }
0xa2: {  	s24 =	simm.s32 $0x1B8B  }
0xa3: {  	_ =	swait.ge [sflag:s24], $0x1  }
0xa4: {  	[sflag:s24] =	ssyncset.done $0x0  }
0xa5: {  	s25 =	simm.s32 $0x1B8E;
	[sflag:s24] =	ssyncadd.s32 $0xFFFFFFFF  }
0xa6: {  	s26 =	simm.s32 $execute0_lowered;
	[smem:$0x3FD2] =	sst s25  }
0xa7: {  	s5 =	sshll.u32 s26, $0x1;
	_ =	strace $0x80000046;
	[dreg:$0x1] =	wrdreg $0xFFFFFFFF  }
0xa8: {  	s28 =	simm.s32 $_size_execute0_lowered;
	s4 =	sadd.s32 s4, s5;
	[dreg:$0x0] =	wrdreg $0x0  }
0xa9: {  	s5 =	sshll.u32 s28, $0x1;
	[dreg:$0x2] =	wrdreg s4  }
0xaa: {  	[dreg:$0x3] =	wrdreg s5  }
0xab: {  	[dreg:$0x4] =	wrdreg $0xC0  }
0xac: {  	_ =	task [dreg:s8], $0x5FFFF  }
0xad: {  	[dreg:$0x1] =	wrdreg $0xFFFFFFFF  }
0xae: {  	[dreg:$0x0] =	wrdreg $0x60  }
0xaf: {  	[dreg:$0x2] =	wrdreg s2  }
0xb0: {  	[dreg:$0x3] =	wrdreg s19  }
0xb1: {  	[dreg:$0x4] =	wrdreg $0x9  }
0xb2: {  	_ =	task.clear_ibuf [dreg:s8], $0x5FFFF;
	_ =	strace $0x90000046  }
0xb3: {  	s29 =	simm.s32 $0x9;
	_ =	strace $0x80000048  }
0xb4: {  	_ =	swait.ge [sflag:s29], $0x1  }
0xb5: {  	[sflag:s29] =	ssyncadd.s32 $0xFFFFFFFF  }
0xb6: {  	_ =	strace $0x90000048  }
0xb7: {  	_ =	sfence  }
0xb8: {  	s30 =	sld [smem:$0x0];
	_ =	sdelay $0x2  }
0xb9: {  	s31 =	sshll.u32 s1, $0xD;
	s1 =	sshrl.u32 s1, $0x2  }
0xba: {  	s3 =	sand.u32 $0x4000, s31;
	s1 =	sadd.s32 s1, s30  }
0xbb: {  	s0 =	sor.u32 s3, s0;
	s1 =	sshll.u32 s1, $0x11  }
0xbc: {  	s0 =	sor.u32 s1, s0  }
0xbd: {  	s0 =	sadd.s32 $0x8F2B, s0  }
0xbe: {  	[sflag:s0] =	ssyncadd.remote.s32 $0x1  }
0xbf: {  	_ =	sfence.sel $0xFFFF  }
0xc0: {  	[dreg:$0x0] =	wrdreg $0xFFFFFFFF;
	(pc) =	sbr.abs _section_cstart, $3  }
0xc1: {  	[dreg:$0x1] =	wrdreg $0xFFFFFFFF  }
0xc2: {  	_ =	task.clear_ibuf [dreg:s8], $0x2FFFF;
	_ =	strace $0x9FFFFFFF  }
0xc3: {  	(tm) =	ssettm $0x7FFFFFFF  }
tec
execute0_lowered:
.L_overlay_start_1:
0x0: {  	(tag) =	ssettag $0x1  }
0x1: {  	s3 =	rddreg [dreg:$0x0]  }
0x2: {  	s0 =	rddreg [dreg:$0x1];
	s1 =	srdreg.scid  }
0x3: {  	s4 =	stileid.u32;
	s2 =	simm.s32 $0x0;
	s1 =	sand.u32 $0x1, s1  }
0x4: {  	s29 =	simm.s32 $0x8000;
	s4 =	sshll.u32 s4, $0x10;
	s5 =	sshll.u32 s1, $0xF  }
0x5: {  	s31 =	simm.s32 $0x3;
	[smem:$0x7FF] =	sst s2;
	s4 =	sor.u32 s5, s4  }
0x6: {  	s30 =	simm.s32 $0x4;
	_ =	strace $0x80000047;
	s5 =	sadd.s32 s3, s4  }
0x7: {  	s6 =	sor.u32 $0x800, s4;
	s18 =	sadd.s32 s0, s4;
	[dreg:$0x3] =	wrdreg s5  }
0x8: {  	s7 =	sor.u32 $0x1000, s4;
	s12 =	sadd.s32 s3, s6;
	[dreg:$0xa] =	wrdreg s18  }
0x9: {  	s8 =	sor.u32 $0x1800, s4;
	s13 =	sadd.s32 s3, s7;
	[dreg:$0x4] =	wrdreg s12  }
0xa: {  	s9 =	sor.u32 $0x2000, s4;
	s14 =	sadd.s32 s3, s8;
	[dreg:$0x5] =	wrdreg s13  }
0xb: {  	s10 =	sor.u32 $0x2800, s4;
	s15 =	sadd.s32 s3, s9;
	[dreg:$0x6] =	wrdreg s14  }
0xc: {  	s11 =	sor.u32 $0x3000, s4;
	s16 =	sadd.s32 s3, s10;
	[dreg:$0x7] =	wrdreg s15  }
0xd: {  	s28 =	simm.s32 $0x5;
	s17 =	sadd.s32 s3, s11;
	[dreg:$0x8] =	wrdreg s16  }
0xe: {  	p0 =	por $0x0, $0x0;
	s19 =	sadd.s32 s0, s6;
	[dreg:$0x9] =	wrdreg s17  }
0xf: {  	s1 =	ssub.s32 $0x2, s1;
	s20 =	sadd.s32 s0, s7;
	[dreg:$0xb] =	wrdreg s19  }
0x10: {  	s22 =	sor.u32 $0x3800, s4;
	s21 =	sadd.s32 s0, s8;
	[dreg:$0xc] =	wrdreg s20  }
0x11: {  	s25 =	sor.u32 $0x4000, s4;
	s23 =	sadd.s32 s3, s22;
	[dreg:$0xd] =	wrdreg s21  }
0x12: {  	s24 =	sadd.s32 s0, s9;
	s26 =	sadd.s32 s3, s25;
	[dreg:$0xe] =	wrdreg s23  }
0x13: {  	s8 =	sadd.s32 s0, s10;
	s9 =	sor.u32 $0x4800, s4;
	[dreg:$0xf] =	wrdreg s24  }
0x14: {  	s11 =	sadd.s32 s0, s11;
	s18 =	sor.u32 $0x6000, s4;
	[dreg:$0x10] =	wrdreg s26  }
0x15: {  	s6 =	simm.s32 $0x8;
	s5 =	simm.s32 $0x9;
	[dreg:$0x11] =	wrdreg s8  }
0x16: {  	s10 =	sadd.s32 s3, s9;
	s12 =	sor.u32 $0x5000, s4;
	[dreg:$0x13] =	wrdreg s11  }
0x17: {  	s14 =	sadd.s32 s0, s22;
	s15 =	sor.u32 $0x5800, s4;
	s17 =	sadd.s32 s0, s25  }
0x18: {  	s19 =	sshrl.u32 s1, $0x1;
	s20 =	sadd.s32 s3, s18;
	s21 =	sadd.s32 s0, s9  }
0x19: {  	s22 =	sor.u32 $0x6800, s4;
	s24 =	sor.u32 $0x7000, s4;
	[dreg:$0x12] =	wrdreg s10  }
0x1a: {  	s4 =	sor.u32 $0x7800, s4;
	s11 =	sadd.s32 s0, s18;
	[dreg:$0x15] =	wrdreg s14  }
0x1b: {  	s26 =	simm.s32 $0xC000;
	s8 =	simm.s32 $0x2;
	[dreg:$0x17] =	wrdreg s17  }
0x1c: {  	s18 =	simm.s32 $0xC;
	s13 =	sadd.s32 s3, s12;
	[dreg:$0x18] =	wrdreg s20  }
0x1d: {  	s16 =	sadd.s32 s3, s15;
	s1 =	ssub.s32 s1, s19;
	[dreg:$0x19] =	wrdreg s21  }
0x1e: {  	s23 =	sadd.s32 s3, s22;
	s20 =	sadd.s32 s0, s12;
	s17 =	sadd.s32 s3, s24  }
0x1f: {  	s14 =	sadd.s32 s3, s4;
	s9 =	sadd.s32 s0, s22;
	s7 =	sadd.s32 s0, s24  }
0x20: {  	s3 =	sadd.s32 s0, s4;
	s4 =	simm.s32 $0x4000;
	s25 =	smax.u32 s1, $0x1  }
0x21: {  	s22 =	simm.s32 $0x10000;
	s19 =	simm.s32 $0x14000;
	p1 =	sne.s32 s25, $0x1  }
.Ltmp0:
0x22: {  	s10 =	simm.s32 $0x1;
	[dreg:$0x14] =	wrdreg s13;
	(pc) =	sbr.rel @!p1 .LBB2_3-.Ltmp0, $4  }
0x23: {  	s24 =	simm.s32 $0x6;
	s21 =	simm.s32 $0xB;
	[dreg:$0x16] =	wrdreg s16  }
0x24: {  	s12 =	simm.s32 $0xE;
	[dreg:$0x1a] =	wrdreg s23;
	s16 =	sadd.s32 s0, s15  }
0x25: {  	s15 =	simm.s32 $0x18000;
	s23 =	simm.s32 $0x7;
	s13 =	simm.s32 $0xD  }
0x26: {  	s1 =	rddreg [dreg:$0x3];
	s0 =	sadd.s32 $0xFFFFFFFF, s25;
	s25 =	simm.s32 $0xA  }
0x27: {  	[dreg:$0x1b] =	wrdreg s0  }
0x28: {  	[tilespmem:s2], [sflag:$0x1] =	stream.linear.gather [hbm4b:s1+s2], $0x4000, $0x38;
	[tilespmem:$0x1C000] =	vst v63  }
0x29: {  	s0 =	rddreg [dreg:$0x4]  }
0x2a: {  	[tilespmem:s4], [sflag:$0x2] =	stream.linear.gather [hbm4b:s0+s2], $0x4000, $0x38;
	[tilespmem:$0x1C000] =	vst v63  }
0x2b: {  	s1 =	rddreg [dreg:$0x5]  }
0x2c: {  	[tilespmem:s29], [sflag:$0x3] =	stream.linear.gather [hbm4b:s1+s2], $0x4000, $0x38;
	[tilespmem:$0x1C000] =	vst v63  }
0x2d: {  	s0 =	rddreg [dreg:$0x6]  }
0x2e: {  	[tilespmem:s26], [sflag:$0x4] =	stream.linear.gather [hbm4b:s0+s2], $0x4000, $0x38;
	[tilespmem:$0x1C000] =	vst v63  }
0x2f: {  	s1 =	rddreg [dreg:$0x7]  }
0x30: {  	[tilespmem:s22], [sflag:$0x5] =	stream.linear.gather [hbm4b:s1+s2], $0x4000, $0x38;
	[tilespmem:$0x1C000] =	vst v63  }
0x31: {  	s0 =	rddreg [dreg:$0x8]  }
0x32: {  	[tilespmem:s19], [sflag:$0x6] =	stream.linear.gather [hbm4b:s0+s2], $0x4000, $0x38;
	[tilespmem:$0x1C000] =	vst v63  }
0x33: {  	s1 =	rddreg [dreg:$0x9]  }
0x34: {  	[tilespmem:s15], [sflag:$0x7] =	stream.linear.gather [hbm4b:s1+s2], $0x4000, $0x38;
	[tilespmem:$0x1C000] =	vst v63  }
0x35: {  	_ =	swait.ge [sflag:s10], $0x4000  }
0x36: {  	[sflag:s10] =	ssyncset.done $0x0  }
0x37: {  	s1 =	rddreg [dreg:$0xa];
	[sflag:s10] =	ssyncadd.s32 $0xFFFFC000  }
0x38: {  	[hbm4b:s1+s2] =	stream.linear.scatter [tilespmem:s2], [sflag:$0x8], $0x4000, $0x38;
	[tilespmem:$0x1C000] =	vst v63  }
0x39: {  	_ =	swait.ge [sflag:s8], $0x4000  }
0x3a: {  	[sflag:s8] =	ssyncset.done $0x0  }
0x3b: {  	s1 =	rddreg [dreg:$0xb];
	[sflag:s8] =	ssyncadd.s32 $0xFFFFC000  }
0x3c: {  	[hbm4b:s1+s2] =	stream.linear.scatter [tilespmem:s4], [sflag:$0x9], $0x4000, $0x38;
	[tilespmem:$0x1C000] =	vst v63  }
0x3d: {  	_ =	swait.ge [sflag:s31], $0x4000  }
0x3e: {  	[sflag:s31] =	ssyncset.done $0x0  }
0x3f: {  	s1 =	rddreg [dreg:$0xc];
	[sflag:s31] =	ssyncadd.s32 $0xFFFFC000  }
0x40: {  	[hbm4b:s1+s2] =	stream.linear.scatter [tilespmem:s29], [sflag:$0xA], $0x4000, $0x38;
	[tilespmem:$0x1C000] =	vst v63  }
0x41: {  	_ =	swait.ge [sflag:s30], $0x4000  }
0x42: {  	[sflag:s30] =	ssyncset.done $0x0  }
0x43: {  	s1 =	rddreg [dreg:$0xd];
	[sflag:s30] =	ssyncadd.s32 $0xFFFFC000  }
0x44: {  	[hbm4b:s1+s2] =	stream.linear.scatter [tilespmem:s26], [sflag:$0xB], $0x4000, $0x38;
	[tilespmem:$0x1C000] =	vst v63  }
0x45: {  	_ =	swait.ge [sflag:s6], $0x4000  }
0x46: {  	[sflag:s6] =	ssyncset.done $0x0  }
0x47: {  	s1 =	rddreg [dreg:$0xe];
	[sflag:s6] =	ssyncadd.s32 $0xFFFFC000  }
0x48: {  	[tilespmem:s2], [sflag:$0x1] =	stream.linear.gather [hbm4b:s1+s2], $0x4000, $0x38;
	[tilespmem:$0x1C000] =	vst v63  }
0x49: {  	_ =	swait.ge [sflag:s28], $0x4000  }
0x4a: {  	[sflag:s28] =	ssyncset.done $0x0  }
0x4b: {  	s1 =	rddreg [dreg:$0xf];
	[sflag:s28] =	ssyncadd.s32 $0xFFFFC000  }
0x4c: {  	[hbm4b:s1+s2] =	stream.linear.scatter [tilespmem:s22], [sflag:$0xC], $0x4000, $0x38;
	[tilespmem:$0x1C000] =	vst v63  }
0x4d: {  	_ =	swait.ge [sflag:s5], $0x4000  }
0x4e: {  	[sflag:s5] =	ssyncset.done $0x0  }
0x4f: {  	s1 =	rddreg [dreg:$0x10];
	[sflag:s5] =	ssyncadd.s32 $0xFFFFC000  }
0x50: {  	[tilespmem:s4], [sflag:$0x2] =	stream.linear.gather [hbm4b:s1+s2], $0x4000, $0x38;
	[tilespmem:$0x1C000] =	vst v63  }
0x51: {  	_ =	swait.ge [sflag:s24], $0x4000  }
0x52: {  	[sflag:s24] =	ssyncset.done $0x0  }
0x53: {  	s1 =	rddreg [dreg:$0x11];
	[sflag:s24] =	ssyncadd.s32 $0xFFFFC000  }
0x54: {  	[hbm4b:s1+s2] =	stream.linear.scatter [tilespmem:s19], [sflag:$0xD], $0x4000, $0x38;
	[tilespmem:$0x1C000] =	vst v63  }
0x55: {  	_ =	swait.ge [sflag:s25], $0x4000  }
0x56: {  	[sflag:s25] =	ssyncset.done $0x0  }
0x57: {  	s1 =	rddreg [dreg:$0x12];
	[sflag:s25] =	ssyncadd.s32 $0xFFFFC000  }
0x58: {  	[tilespmem:s29], [sflag:$0x3] =	stream.linear.gather [hbm4b:s1+s2], $0x4000, $0x38;
	[tilespmem:$0x1C000] =	vst v63  }
0x59: {  	_ =	swait.ge [sflag:s23], $0x4000  }
0x5a: {  	[sflag:s23] =	ssyncset.done $0x0  }
0x5b: {  	s1 =	rddreg [dreg:$0x13];
	[sflag:s23] =	ssyncadd.s32 $0xFFFFC000  }
0x5c: {  	[hbm4b:s1+s2] =	stream.linear.scatter [tilespmem:s15], [sflag:$0xE], $0x4000, $0x38;
	[tilespmem:$0x1C000] =	vst v63  }
0x5d: {  	_ =	swait.ge [sflag:s21], $0x4000  }
0x5e: {  	[sflag:s21] =	ssyncset.done $0x0  }
0x5f: {  	s1 =	rddreg [dreg:$0x14];
	[sflag:s21] =	ssyncadd.s32 $0xFFFFC000  }
0x60: {  	[tilespmem:s26], [sflag:$0x4] =	stream.linear.gather [hbm4b:s1+s2], $0x4000, $0x38;
	[tilespmem:$0x1C000] =	vst v63  }
0x61: {  	_ =	swait.ge [sflag:s10], $0x4000  }
0x62: {  	[sflag:s10] =	ssyncset.done $0x0  }
0x63: {  	s1 =	rddreg [dreg:$0x15];
	[sflag:s10] =	ssyncadd.s32 $0xFFFFC000  }
0x64: {  	[hbm4b:s1+s2] =	stream.linear.scatter [tilespmem:s2], [sflag:$0x8], $0x4000, $0x38;
	[tilespmem:$0x1C000] =	vst v63  }
0x65: {  	_ =	swait.ge [sflag:s18], $0x4000  }
0x66: {  	[sflag:s18] =	ssyncset.done $0x0  }
0x67: {  	s1 =	rddreg [dreg:$0x16];
	[sflag:s18] =	ssyncadd.s32 $0xFFFFC000  }
0x68: {  	[tilespmem:s22], [sflag:$0x5] =	stream.linear.gather [hbm4b:s1+s2], $0x4000, $0x38;
	[tilespmem:$0x1C000] =	vst v63  }
0x69: {  	_ =	swait.ge [sflag:s8], $0x4000  }
0x6a: {  	[sflag:s8] =	ssyncset.done $0x0  }
0x6b: {  	s1 =	rddreg [dreg:$0x17];
	[sflag:s8] =	ssyncadd.s32 $0xFFFFC000  }
0x6c: {  	[hbm4b:s1+s2] =	stream.linear.scatter [tilespmem:s4], [sflag:$0x9], $0x4000, $0x38;
	[tilespmem:$0x1C000] =	vst v63  }
0x6d: {  	_ =	swait.ge [sflag:s13], $0x4000  }
0x6e: {  	[sflag:s13] =	ssyncset.done $0x0  }
0x6f: {  	s1 =	rddreg [dreg:$0x18];
	[sflag:s13] =	ssyncadd.s32 $0xFFFFC000  }
0x70: {  	[tilespmem:s19], [sflag:$0x6] =	stream.linear.gather [hbm4b:s1+s2], $0x4000, $0x38;
	[tilespmem:$0x1C000] =	vst v63  }
0x71: {  	_ =	swait.ge [sflag:s31], $0x4000  }
0x72: {  	[sflag:s31] =	ssyncset.done $0x0  }
0x73: {  	s1 =	rddreg [dreg:$0x19];
	[sflag:s31] =	ssyncadd.s32 $0xFFFFC000  }
0x74: {  	[hbm4b:s1+s2] =	stream.linear.scatter [tilespmem:s29], [sflag:$0xA], $0x4000, $0x38;
	[tilespmem:$0x1C000] =	vst v63  }
0x75: {  	_ =	swait.ge [sflag:s12], $0x4000  }
0x76: {  	[sflag:s12] =	ssyncset.done $0x0  }
0x77: {  	s1 =	rddreg [dreg:$0x1a];
	[sflag:s12] =	ssyncadd.s32 $0xFFFFC000  }
0x78: {  	[tilespmem:s15], [sflag:$0x7] =	stream.linear.gather [hbm4b:s1+s2], $0x4000, $0x38;
	[tilespmem:$0x1C000] =	vst v63  }
0x79: {  	_ =	swait.ge [sflag:s30], $0x4000  }
0x7a: {  	[sflag:s30] =	ssyncset.done $0x0  }
0x7b: {  	[sflag:s30] =	ssyncadd.s32 $0xFFFFC000  }
0x7c: {  	[hbm4b:s20+s2] =	stream.linear.scatter [tilespmem:s26], [sflag:$0xB], $0x4000, $0x38;
	[tilespmem:$0x1C000] =	vst v63  }
0x7d: {  	_ =	swait.ge [sflag:s6], $0x4000  }
0x7e: {  	[sflag:s6] =	ssyncset.done $0x0  }
0x7f: {  	[sflag:s6] =	ssyncadd.s32 $0xFFFFC000  }
0x80: {  	[tilespmem:s2], [sflag:$0x1] =	stream.linear.gather [hbm4b:s17+s2], $0x4000, $0x38;
	[tilespmem:$0x1C000] =	vst v63  }
0x81: {  	_ =	swait.ge [sflag:s28], $0x4000  }
0x82: {  	[sflag:s28] =	ssyncset.done $0x0  }
0x83: {  	[sflag:s28] =	ssyncadd.s32 $0xFFFFC000  }
0x84: {  	[hbm4b:s16+s2] =	stream.linear.scatter [tilespmem:s22], [sflag:$0xC], $0x4000, $0x38;
	[tilespmem:$0x1C000] =	vst v63  }
0x85: {  	_ =	swait.ge [sflag:s5], $0x4000  }
0x86: {  	[sflag:s5] =	ssyncset.done $0x0  }
0x87: {  	[sflag:s5] =	ssyncadd.s32 $0xFFFFC000  }
0x88: {  	[tilespmem:s4], [sflag:$0x2] =	stream.linear.gather [hbm4b:s14+s2], $0x4000, $0x38;
	[tilespmem:$0x1C000] =	vst v63  }
0x89: {  	_ =	swait.ge [sflag:s24], $0x4000  }
0x8a: {  	[sflag:s24] =	ssyncset.done $0x0  }
0x8b: {  	[sflag:s24] =	ssyncadd.s32 $0xFFFFC000  }
0x8c: {  	[hbm4b:s11+s2] =	stream.linear.scatter [tilespmem:s19], [sflag:$0xD], $0x4000, $0x38;
	[tilespmem:$0x1C000] =	vst v63  }
0x8d: {  	_ =	swait.ge [sflag:s25], $0x4000  }
0x8e: {  	[sflag:s25] =	ssyncset.done $0x0  }
0x8f: {  	[sflag:s25] =	ssyncadd.s32 $0xFFFFC000  }
0x90: {  	_ =	swait.ge [sflag:s23], $0x4000  }
0x91: {  	[sflag:s23] =	ssyncset.done $0x0  }
0x92: {  	[sflag:s23] =	ssyncadd.s32 $0xFFFFC000  }
0x93: {  	[hbm4b:s9+s2] =	stream.linear.scatter [tilespmem:s15], [sflag:$0xE], $0x4000, $0x38;
	[tilespmem:$0x1C000] =	vst v63  }
0x94: {  	_ =	swait.ge [sflag:s21], $0x4000  }
0x95: {  	[sflag:s21] =	ssyncset.done $0x0  }
0x96: {  	[sflag:s21] =	ssyncadd.s32 $0xFFFFC000  }
0x97: {  	_ =	swait.ge [sflag:s10], $0x4000  }
0x98: {  	[sflag:s10] =	ssyncset.done $0x0  }
0x99: {  	[sflag:s10] =	ssyncadd.s32 $0xFFFFC000  }
0x9a: {  	[hbm4b:s7+s2] =	stream.linear.scatter [tilespmem:s2], [sflag:$0x8], $0x4000, $0x38;
	[tilespmem:$0x1C000] =	vst v63  }
0x9b: {  	_ =	swait.ge [sflag:s18], $0x4000  }
0x9c: {  	[sflag:s18] =	ssyncset.done $0x0  }
0x9d: {  	[sflag:s18] =	ssyncadd.s32 $0xFFFFC000  }
0x9e: {  	_ =	swait.ge [sflag:s8], $0x4000  }
0x9f: {  	[sflag:s8] =	ssyncset.done $0x0  }
0xa0: {  	[sflag:s8] =	ssyncadd.s32 $0xFFFFC000  }
0xa1: {  	[hbm4b:s3+s2] =	stream.linear.scatter [tilespmem:s4], [sflag:$0x9], $0x4000, $0x38;
	[tilespmem:$0x1C000] =	vst v63  }
0xa2: {  	_ =	swait.ge [sflag:s13], $0x4000  }
0xa3: {  	[sflag:s13] =	ssyncset.done $0x0  }
0xa4: {  	[sflag:s13] =	ssyncadd.s32 $0xFFFFC000  }
0xa5: {  	_ =	swait.ge [sflag:s12], $0x4000  }
0xa6: {  	[sflag:s12] =	ssyncset.done $0x0  }
0xa7: {  	[sflag:s12] =	ssyncadd.s32 $0xFFFFC000  }
0xa8: {  	_ =	swait.ge [sflag:s6], $0x4000  }
0xa9: {  	s1 =	rddreg [dreg:$0x1b]  }
0xaa: {  	p1 =	sne.s32 s1, $0x1  }
.Ltmp1:
0xab: {  	_ = 	snop;
	(pc) =	sbr.rel @!p1 .LBB2_3-.Ltmp1, $4  }
0xac: {  	[sflag:s6] =	ssyncset.done $0x0  }
0xad: {  	[sflag:s6] =	ssyncadd.s32 $0xFFFFC000  }
0xae: {  	p0 =	por $0x1, $0x1;
	_ =	swait.ge [sflag:s5], $0x4000  }
0xaf: {  	s0 =	sadd.s32 $0xFFFFFFFF, s1;
	s1 =	rddreg [dreg:$0x3];
	[sflag:s5] =	ssyncset.done $0x0  }
.LBB2_2:
0xb0: {  	[sflag:s5] =	ssyncadd.s32 $0xFFFFC000  }
0xb1: {  	s15 =	smov.u32 s20;
	s20 =	smov.u32 s17;
	s17 =	smov.u32 s16  }
0xb2: {  	s16 =	smov.u32 s14;
	s14 =	smov.u32 s11;
	s11 =	smov.u32 s9  }
0xb3: {  	s9 =	smov.u32 s7;
	s7 =	smov.u32 s3;
	s3 =	rddreg [dreg:$0x4]  }
0xb4: {  	[tilespmem:s2], [sflag:$0x1] =	stream.linear.gather [hbm4b:s1+s2], $0x4000, $0x38;
	[tilespmem:$0x1C000] =	vst v63  }
0xb5: {  	s1 =	rddreg [dreg:$0x5]  }
0xb6: {  	[tilespmem:s4], [sflag:$0x2] =	stream.linear.gather [hbm4b:s3+s2], $0x4000, $0x38;
	[tilespmem:$0x1C000] =	vst v63  }
0xb7: {  	s3 =	rddreg [dreg:$0x6]  }
0xb8: {  	[tilespmem:s29], [sflag:$0x3] =	stream.linear.gather [hbm4b:s1+s2], $0x4000, $0x38;
	[tilespmem:$0x1C000] =	vst v63  }
0xb9: {  	s1 =	rddreg [dreg:$0x7]  }
0xba: {  	[tilespmem:s26], [sflag:$0x4] =	stream.linear.gather [hbm4b:s3+s2], $0x4000, $0x38;
	[tilespmem:$0x1C000] =	vst v63  }
0xbb: {  	s3 =	rddreg [dreg:$0x8]  }
0xbc: {  	[tilespmem:s22], [sflag:$0x5] =	stream.linear.gather [hbm4b:s1+s2], $0x4000, $0x38;
	[tilespmem:$0x1C000] =	vst v63  }
0xbd: {  	s1 =	rddreg [dreg:$0x9]  }
0xbe: {  	[tilespmem:s19], [sflag:$0x6] =	stream.linear.gather [hbm4b:s3+s2], $0x4000, $0x38;
	[tilespmem:$0x1C000] =	vst v63  }
0xbf: {  	s3 =	smov.u32 s7;
	s7 =	smov.u32 s9;
	s9 =	smov.u32 s11  }
0xc0: {  	s11 =	smov.u32 s14;
	s14 =	smov.u32 s16;
	s16 =	smov.u32 s17  }
0xc1: {  	s17 =	smov.u32 s20;
	s20 =	smov.u32 s15;
	s15 =	simm.s32 $0x18000  }
0xc2: {  	[tilespmem:s15], [sflag:$0x7] =	stream.linear.gather [hbm4b:s1+s2], $0x4000, $0x38;
	[tilespmem:$0x1C000] =	vst v63  }
0xc3: {  	_ =	swait.ge [sflag:s10], $0x4000  }
0xc4: {  	[sflag:s10] =	ssyncset.done $0x0  }
0xc5: {  	s1 =	rddreg [dreg:$0xa];
	[sflag:s10] =	ssyncadd.s32 $0xFFFFC000  }
0xc6: {  	[hbm4b:s1+s2] =	stream.linear.scatter [tilespmem:s2], [sflag:$0x8], $0x4000, $0x38;
	[tilespmem:$0x1C000] =	vst v63  }
0xc7: {  	_ =	swait.ge [sflag:s8], $0x4000  }
0xc8: {  	[sflag:s8] =	ssyncset.done $0x0  }
0xc9: {  	s1 =	rddreg [dreg:$0xb];
	[sflag:s8] =	ssyncadd.s32 $0xFFFFC000  }
0xca: {  	[hbm4b:s1+s2] =	stream.linear.scatter [tilespmem:s4], [sflag:$0x9], $0x4000, $0x38;
	[tilespmem:$0x1C000] =	vst v63  }
0xcb: {  	_ =	swait.ge [sflag:s31], $0x4000  }
0xcc: {  	[sflag:s31] =	ssyncset.done $0x0  }
0xcd: {  	s1 =	rddreg [dreg:$0xc];
	[sflag:s31] =	ssyncadd.s32 $0xFFFFC000  }
0xce: {  	[hbm4b:s1+s2] =	stream.linear.scatter [tilespmem:s29], [sflag:$0xA], $0x4000, $0x38;
	[tilespmem:$0x1C000] =	vst v63  }
0xcf: {  	_ =	swait.ge [sflag:s30], $0x4000  }
0xd0: {  	[sflag:s30] =	ssyncset.done $0x0  }
0xd1: {  	s1 =	rddreg [dreg:$0xd];
	[sflag:s30] =	ssyncadd.s32 $0xFFFFC000  }
0xd2: {  	[hbm4b:s1+s2] =	stream.linear.scatter [tilespmem:s26], [sflag:$0xB], $0x4000, $0x38;
	[tilespmem:$0x1C000] =	vst v63  }
0xd3: {  	_ =	swait.ge [sflag:s6], $0x4000  }
0xd4: {  	[sflag:s6] =	ssyncset.done $0x0  }
0xd5: {  	s1 =	rddreg [dreg:$0xe];
	[sflag:s6] =	ssyncadd.s32 $0xFFFFC000  }
0xd6: {  	[tilespmem:s2], [sflag:$0x1] =	stream.linear.gather [hbm4b:s1+s2], $0x4000, $0x38;
	[tilespmem:$0x1C000] =	vst v63  }
0xd7: {  	_ =	swait.ge [sflag:s28], $0x4000  }
0xd8: {  	[sflag:s28] =	ssyncset.done $0x0  }
0xd9: {  	s1 =	rddreg [dreg:$0xf];
	[sflag:s28] =	ssyncadd.s32 $0xFFFFC000  }
0xda: {  	[hbm4b:s1+s2] =	stream.linear.scatter [tilespmem:s22], [sflag:$0xC], $0x4000, $0x38;
	[tilespmem:$0x1C000] =	vst v63  }
0xdb: {  	_ =	swait.ge [sflag:s5], $0x4000  }
0xdc: {  	[sflag:s5] =	ssyncset.done $0x0  }
0xdd: {  	s1 =	rddreg [dreg:$0x10];
	[sflag:s5] =	ssyncadd.s32 $0xFFFFC000  }
0xde: {  	[tilespmem:s4], [sflag:$0x2] =	stream.linear.gather [hbm4b:s1+s2], $0x4000, $0x38;
	[tilespmem:$0x1C000] =	vst v63  }
0xdf: {  	_ =	swait.ge [sflag:s24], $0x4000  }
0xe0: {  	[sflag:s24] =	ssyncset.done $0x0  }
0xe1: {  	s1 =	rddreg [dreg:$0x11];
	[sflag:s24] =	ssyncadd.s32 $0xFFFFC000  }
0xe2: {  	[hbm4b:s1+s2] =	stream.linear.scatter [tilespmem:s19], [sflag:$0xD], $0x4000, $0x38;
	[tilespmem:$0x1C000] =	vst v63  }
0xe3: {  	_ =	swait.ge [sflag:s25], $0x4000  }
0xe4: {  	[sflag:s25] =	ssyncset.done $0x0  }
0xe5: {  	s1 =	rddreg [dreg:$0x12];
	[sflag:s25] =	ssyncadd.s32 $0xFFFFC000  }
0xe6: {  	[tilespmem:s29], [sflag:$0x3] =	stream.linear.gather [hbm4b:s1+s2], $0x4000, $0x38;
	[tilespmem:$0x1C000] =	vst v63  }
0xe7: {  	_ =	swait.ge [sflag:s23], $0x4000  }
0xe8: {  	[sflag:s23] =	ssyncset.done $0x0  }
0xe9: {  	s1 =	rddreg [dreg:$0x13];
	[sflag:s23] =	ssyncadd.s32 $0xFFFFC000  }
0xea: {  	[hbm4b:s1+s2] =	stream.linear.scatter [tilespmem:s15], [sflag:$0xE], $0x4000, $0x38;
	[tilespmem:$0x1C000] =	vst v63  }
0xeb: {  	_ =	swait.ge [sflag:s21], $0x4000  }
0xec: {  	[sflag:s21] =	ssyncset.done $0x0  }
0xed: {  	s1 =	rddreg [dreg:$0x14];
	[sflag:s21] =	ssyncadd.s32 $0xFFFFC000  }
0xee: {  	[tilespmem:s26], [sflag:$0x4] =	stream.linear.gather [hbm4b:s1+s2], $0x4000, $0x38;
	[tilespmem:$0x1C000] =	vst v63  }
0xef: {  	_ =	swait.ge [sflag:s10], $0x4000  }
0xf0: {  	[sflag:s10] =	ssyncset.done $0x0  }
0xf1: {  	s1 =	rddreg [dreg:$0x15];
	[sflag:s10] =	ssyncadd.s32 $0xFFFFC000  }
0xf2: {  	[hbm4b:s1+s2] =	stream.linear.scatter [tilespmem:s2], [sflag:$0x8], $0x4000, $0x38;
	[tilespmem:$0x1C000] =	vst v63  }
0xf3: {  	_ =	swait.ge [sflag:s18], $0x4000  }
0xf4: {  	[sflag:s18] =	ssyncset.done $0x0  }
0xf5: {  	s1 =	rddreg [dreg:$0x16];
	[sflag:s18] =	ssyncadd.s32 $0xFFFFC000  }
0xf6: {  	[tilespmem:s22], [sflag:$0x5] =	stream.linear.gather [hbm4b:s1+s2], $0x4000, $0x38;
	[tilespmem:$0x1C000] =	vst v63  }
0xf7: {  	_ =	swait.ge [sflag:s8], $0x4000  }
0xf8: {  	[sflag:s8] =	ssyncset.done $0x0  }
0xf9: {  	s1 =	rddreg [dreg:$0x17];
	[sflag:s8] =	ssyncadd.s32 $0xFFFFC000  }
0xfa: {  	[hbm4b:s1+s2] =	stream.linear.scatter [tilespmem:s4], [sflag:$0x9], $0x4000, $0x38;
	[tilespmem:$0x1C000] =	vst v63  }
0xfb: {  	_ =	swait.ge [sflag:s13], $0x4000  }
0xfc: {  	[sflag:s13] =	ssyncset.done $0x0  }
0xfd: {  	s1 =	rddreg [dreg:$0x18];
	[sflag:s13] =	ssyncadd.s32 $0xFFFFC000  }
0xfe: {  	[tilespmem:s19], [sflag:$0x6] =	stream.linear.gather [hbm4b:s1+s2], $0x4000, $0x38;
	[tilespmem:$0x1C000] =	vst v63  }
0xff: {  	_ =	swait.ge [sflag:s31], $0x4000  }
0x100: {  	[sflag:s31] =	ssyncset.done $0x0  }
0x101: {  	s1 =	rddreg [dreg:$0x19];
	[sflag:s31] =	ssyncadd.s32 $0xFFFFC000  }
0x102: {  	[hbm4b:s1+s2] =	stream.linear.scatter [tilespmem:s29], [sflag:$0xA], $0x4000, $0x38;
	[tilespmem:$0x1C000] =	vst v63  }
0x103: {  	_ =	swait.ge [sflag:s12], $0x4000  }
0x104: {  	[sflag:s12] =	ssyncset.done $0x0  }
0x105: {  	s1 =	rddreg [dreg:$0x1a];
	[sflag:s12] =	ssyncadd.s32 $0xFFFFC000  }
0x106: {  	[tilespmem:s15], [sflag:$0x7] =	stream.linear.gather [hbm4b:s1+s2], $0x4000, $0x38;
	[tilespmem:$0x1C000] =	vst v63  }
0x107: {  	_ =	swait.ge [sflag:s30], $0x4000  }
0x108: {  	[sflag:s30] =	ssyncset.done $0x0  }
0x109: {  	[sflag:s30] =	ssyncadd.s32 $0xFFFFC000  }
0x10a: {  	[hbm4b:s20+s2] =	stream.linear.scatter [tilespmem:s26], [sflag:$0xB], $0x4000, $0x38;
	[tilespmem:$0x1C000] =	vst v63  }
0x10b: {  	_ =	swait.ge [sflag:s6], $0x4000  }
0x10c: {  	[sflag:s6] =	ssyncset.done $0x0  }
0x10d: {  	[sflag:s6] =	ssyncadd.s32 $0xFFFFC000  }
0x10e: {  	[tilespmem:s2], [sflag:$0x1] =	stream.linear.gather [hbm4b:s17+s2], $0x4000, $0x38;
	[tilespmem:$0x1C000] =	vst v63  }
0x10f: {  	_ =	swait.ge [sflag:s28], $0x4000  }
0x110: {  	[sflag:s28] =	ssyncset.done $0x0  }
0x111: {  	[sflag:s28] =	ssyncadd.s32 $0xFFFFC000  }
0x112: {  	[hbm4b:s16+s2] =	stream.linear.scatter [tilespmem:s22], [sflag:$0xC], $0x4000, $0x38;
	[tilespmem:$0x1C000] =	vst v63  }
0x113: {  	_ =	swait.ge [sflag:s5], $0x4000  }
0x114: {  	[sflag:s5] =	ssyncset.done $0x0  }
0x115: {  	[sflag:s5] =	ssyncadd.s32 $0xFFFFC000  }
0x116: {  	[tilespmem:s4], [sflag:$0x2] =	stream.linear.gather [hbm4b:s14+s2], $0x4000, $0x38;
	[tilespmem:$0x1C000] =	vst v63  }
0x117: {  	_ =	swait.ge [sflag:s24], $0x4000  }
0x118: {  	[sflag:s24] =	ssyncset.done $0x0  }
0x119: {  	[sflag:s24] =	ssyncadd.s32 $0xFFFFC000  }
0x11a: {  	[hbm4b:s11+s2] =	stream.linear.scatter [tilespmem:s19], [sflag:$0xD], $0x4000, $0x38;
	[tilespmem:$0x1C000] =	vst v63  }
0x11b: {  	_ =	swait.ge [sflag:s25], $0x4000  }
0x11c: {  	[sflag:s25] =	ssyncset.done $0x0  }
0x11d: {  	[sflag:s25] =	ssyncadd.s32 $0xFFFFC000  }
0x11e: {  	_ =	swait.ge [sflag:s23], $0x4000  }
0x11f: {  	[sflag:s23] =	ssyncset.done $0x0  }
0x120: {  	[sflag:s23] =	ssyncadd.s32 $0xFFFFC000  }
0x121: {  	[hbm4b:s9+s2] =	stream.linear.scatter [tilespmem:s15], [sflag:$0xE], $0x4000, $0x38;
	[tilespmem:$0x1C000] =	vst v63  }
0x122: {  	_ =	swait.ge [sflag:s21], $0x4000  }
0x123: {  	[sflag:s21] =	ssyncset.done $0x0  }
0x124: {  	[sflag:s21] =	ssyncadd.s32 $0xFFFFC000  }
0x125: {  	_ =	swait.ge [sflag:s10], $0x4000  }
0x126: {  	[sflag:s10] =	ssyncset.done $0x0  }
0x127: {  	[sflag:s10] =	ssyncadd.s32 $0xFFFFC000  }
0x128: {  	[hbm4b:s7+s2] =	stream.linear.scatter [tilespmem:s2], [sflag:$0x8], $0x4000, $0x38;
	[tilespmem:$0x1C000] =	vst v63  }
0x129: {  	_ =	swait.ge [sflag:s18], $0x4000  }
0x12a: {  	[sflag:s18] =	ssyncset.done $0x0  }
0x12b: {  	[sflag:s18] =	ssyncadd.s32 $0xFFFFC000  }
0x12c: {  	_ =	swait.ge [sflag:s8], $0x4000  }
0x12d: {  	[sflag:s8] =	ssyncset.done $0x0  }
0x12e: {  	[sflag:s8] =	ssyncadd.s32 $0xFFFFC000  }
0x12f: {  	[hbm4b:s3+s2] =	stream.linear.scatter [tilespmem:s4], [sflag:$0x9], $0x4000, $0x38;
	[tilespmem:$0x1C000] =	vst v63  }
0x130: {  	_ =	swait.ge [sflag:s13], $0x4000  }
0x131: {  	[sflag:s13] =	ssyncset.done $0x0  }
0x132: {  	[sflag:s13] =	ssyncadd.s32 $0xFFFFC000  }
0x133: {  	_ =	swait.ge [sflag:s12], $0x4000  }
0x134: {  	[sflag:s12] =	ssyncset.done $0x0  }
0x135: {  	p1 =	sne.s32 s0, $0x1;
	[sflag:s12] =	ssyncadd.s32 $0xFFFFC000  }
.Ltmp2:
0x136: {  	_ =	swait.ge [sflag:s6], $0x4000;
	(pc) =	sbr.rel @p1 .LBB2_2-.Ltmp2, $4  }
0x137: {  	[sflag:s6] =	ssyncset.done $0x0  }
0x138: {  	[sflag:s6] =	ssyncadd.s32 $0xFFFFC000  }
0x139: {  	_ =	swait.ge [sflag:s5], $0x4000  }
0x13a: {  	s0 =	sadd.s32 $0xFFFFFFFF, s0;
	s1 =	rddreg [dreg:$0x3];
	[sflag:s5] =	ssyncset.done $0x0  }
.LBB2_3:
0x13b: {  	[sflag:s5] =	ssyncadd.s32 @p0 $0xFFFFC000  }
0x13c: {  	[tilespmem:s2], [sflag:$0x1] =	stream.linear.gather [hbm4b:s1+s2], $0x4000, $0x38;
	[tilespmem:$0x1C000] =	vst v63  }
0x13d: {  	s0 =	rddreg [dreg:$0x4]  }
0x13e: {  	[tilespmem:s4], [sflag:$0x2] =	stream.linear.gather [hbm4b:s0+s2], $0x4000, $0x38;
	[tilespmem:$0x1C000] =	vst v63  }
0x13f: {  	s1 =	rddreg [dreg:$0x5]  }
0x140: {  	[tilespmem:s29], [sflag:$0x3] =	stream.linear.gather [hbm4b:s1+s2], $0x4000, $0x38;
	[tilespmem:$0x1C000] =	vst v63  }
0x141: {  	s0 =	rddreg [dreg:$0x6]  }
0x142: {  	[tilespmem:s26], [sflag:$0x4] =	stream.linear.gather [hbm4b:s0+s2], $0x4000, $0x38;
	[tilespmem:$0x1C000] =	vst v63  }
0x143: {  	s1 =	rddreg [dreg:$0x7]  }
0x144: {  	[tilespmem:s22], [sflag:$0x5] =	stream.linear.gather [hbm4b:s1+s2], $0x4000, $0x38;
	[tilespmem:$0x1C000] =	vst v63  }
0x145: {  	s0 =	rddreg [dreg:$0x8]  }
0x146: {  	[tilespmem:s19], [sflag:$0x6] =	stream.linear.gather [hbm4b:s0+s2], $0x4000, $0x38;
	[tilespmem:$0x1C000] =	vst v63  }
0x147: {  	s1 =	rddreg [dreg:$0x9]  }
0x148: {  	[tilespmem:s15], [sflag:$0x7] =	stream.linear.gather [hbm4b:s1+s2], $0x4000, $0x38;
	[tilespmem:$0x1C000] =	vst v63  }
0x149: {  	_ =	swait.ge [sflag:s10], $0x4000  }
0x14a: {  	[sflag:s10] =	ssyncset.done $0x0  }
0x14b: {  	s1 =	rddreg [dreg:$0xa];
	[sflag:s10] =	ssyncadd.s32 $0xFFFFC000  }
0x14c: {  	[hbm4b:s1+s2] =	stream.linear.scatter [tilespmem:s2], [sflag:$0x8], $0x4000, $0x38;
	[tilespmem:$0x1C000] =	vst v63  }
0x14d: {  	_ =	swait.ge [sflag:s8], $0x4000  }
0x14e: {  	[sflag:s8] =	ssyncset.done $0x0  }
0x14f: {  	s1 =	rddreg [dreg:$0xb];
	[sflag:s8] =	ssyncadd.s32 $0xFFFFC000  }
0x150: {  	[hbm4b:s1+s2] =	stream.linear.scatter [tilespmem:s4], [sflag:$0x9], $0x4000, $0x38;
	[tilespmem:$0x1C000] =	vst v63  }
0x151: {  	_ =	swait.ge [sflag:s31], $0x4000  }
0x152: {  	[sflag:s31] =	ssyncset.done $0x0  }
0x153: {  	s1 =	rddreg [dreg:$0xc];
	[sflag:s31] =	ssyncadd.s32 $0xFFFFC000  }
0x154: {  	[hbm4b:s1+s2] =	stream.linear.scatter [tilespmem:s29], [sflag:$0xA], $0x4000, $0x38;
	[tilespmem:$0x1C000] =	vst v63  }
0x155: {  	_ =	swait.ge [sflag:s30], $0x4000  }
0x156: {  	[sflag:s30] =	ssyncset.done $0x0  }
0x157: {  	s1 =	rddreg [dreg:$0xd];
	[sflag:s30] =	ssyncadd.s32 $0xFFFFC000  }
0x158: {  	[hbm4b:s1+s2] =	stream.linear.scatter [tilespmem:s26], [sflag:$0xB], $0x4000, $0x38;
	[tilespmem:$0x1C000] =	vst v63  }
0x159: {  	_ =	swait.ge [sflag:s6], $0x4000  }
0x15a: {  	[sflag:s6] =	ssyncset.done $0x0  }
0x15b: {  	s1 =	rddreg [dreg:$0xe];
	[sflag:s6] =	ssyncadd.s32 $0xFFFFC000  }
0x15c: {  	[tilespmem:s2], [sflag:$0x1] =	stream.linear.gather [hbm4b:s1+s2], $0x4000, $0x38;
	[tilespmem:$0x1C000] =	vst v63  }
0x15d: {  	_ =	swait.ge [sflag:s28], $0x4000  }
0x15e: {  	[sflag:s28] =	ssyncset.done $0x0  }
0x15f: {  	s1 =	rddreg [dreg:$0xf];
	[sflag:s28] =	ssyncadd.s32 $0xFFFFC000  }
0x160: {  	[hbm4b:s1+s2] =	stream.linear.scatter [tilespmem:s22], [sflag:$0xC], $0x4000, $0x38;
	[tilespmem:$0x1C000] =	vst v63  }
0x161: {  	_ =	swait.ge [sflag:s5], $0x4000  }
0x162: {  	[sflag:s5] =	ssyncset.done $0x0  }
0x163: {  	s1 =	rddreg [dreg:$0x10];
	[sflag:s5] =	ssyncadd.s32 $0xFFFFC000  }
0x164: {  	[tilespmem:s4], [sflag:$0x2] =	stream.linear.gather [hbm4b:s1+s2], $0x4000, $0x38;
	[tilespmem:$0x1C000] =	vst v63  }
0x165: {  	_ =	swait.ge [sflag:s24], $0x4000  }
0x166: {  	[sflag:s24] =	ssyncset.done $0x0  }
0x167: {  	s1 =	rddreg [dreg:$0x11];
	[sflag:s24] =	ssyncadd.s32 $0xFFFFC000  }
0x168: {  	[hbm4b:s1+s2] =	stream.linear.scatter [tilespmem:s19], [sflag:$0xD], $0x4000, $0x38;
	[tilespmem:$0x1C000] =	vst v63  }
0x169: {  	_ =	swait.ge [sflag:s25], $0x4000  }
0x16a: {  	[sflag:s25] =	ssyncset.done $0x0  }
0x16b: {  	s1 =	rddreg [dreg:$0x12];
	[sflag:s25] =	ssyncadd.s32 $0xFFFFC000  }
0x16c: {  	[tilespmem:s29], [sflag:$0x3] =	stream.linear.gather [hbm4b:s1+s2], $0x4000, $0x38;
	[tilespmem:$0x1C000] =	vst v63  }
0x16d: {  	_ =	swait.ge [sflag:s23], $0x4000  }
0x16e: {  	[sflag:s23] =	ssyncset.done $0x0  }
0x16f: {  	s1 =	rddreg [dreg:$0x13];
	[sflag:s23] =	ssyncadd.s32 $0xFFFFC000  }
0x170: {  	[hbm4b:s1+s2] =	stream.linear.scatter [tilespmem:s15], [sflag:$0xE], $0x4000, $0x38;
	[tilespmem:$0x1C000] =	vst v63  }
0x171: {  	_ =	swait.ge [sflag:s21], $0x4000  }
0x172: {  	[sflag:s21] =	ssyncset.done $0x0  }
0x173: {  	s1 =	rddreg [dreg:$0x14];
	[sflag:s21] =	ssyncadd.s32 $0xFFFFC000  }
0x174: {  	[tilespmem:s26], [sflag:$0x4] =	stream.linear.gather [hbm4b:s1+s2], $0x4000, $0x38;
	[tilespmem:$0x1C000] =	vst v63  }
0x175: {  	_ =	swait.ge [sflag:s10], $0x4000  }
0x176: {  	[sflag:s10] =	ssyncset.done $0x0  }
0x177: {  	s1 =	rddreg [dreg:$0x15];
	[sflag:s10] =	ssyncadd.s32 $0xFFFFC000  }
0x178: {  	[hbm4b:s1+s2] =	stream.linear.scatter [tilespmem:s2], [sflag:$0x8], $0x4000, $0x38;
	[tilespmem:$0x1C000] =	vst v63  }
0x179: {  	_ =	swait.ge [sflag:s18], $0x4000  }
0x17a: {  	[sflag:s18] =	ssyncset.done $0x0  }
0x17b: {  	s1 =	rddreg [dreg:$0x16];
	[sflag:s18] =	ssyncadd.s32 $0xFFFFC000  }
0x17c: {  	[tilespmem:s22], [sflag:$0x5] =	stream.linear.gather [hbm4b:s1+s2], $0x4000, $0x38;
	[tilespmem:$0x1C000] =	vst v63  }
0x17d: {  	_ =	swait.ge [sflag:s8], $0x4000  }
0x17e: {  	[sflag:s8] =	ssyncset.done $0x0  }
0x17f: {  	s1 =	rddreg [dreg:$0x17];
	[sflag:s8] =	ssyncadd.s32 $0xFFFFC000  }
0x180: {  	[hbm4b:s1+s2] =	stream.linear.scatter [tilespmem:s4], [sflag:$0x9], $0x4000, $0x38;
	[tilespmem:$0x1C000] =	vst v63  }
0x181: {  	_ =	swait.ge [sflag:s13], $0x4000  }
0x182: {  	[sflag:s13] =	ssyncset.done $0x0  }
0x183: {  	s1 =	rddreg [dreg:$0x18];
	[sflag:s13] =	ssyncadd.s32 $0xFFFFC000  }
0x184: {  	[tilespmem:s19], [sflag:$0x6] =	stream.linear.gather [hbm4b:s1+s2], $0x4000, $0x38;
	[tilespmem:$0x1C000] =	vst v63  }
0x185: {  	_ =	swait.ge [sflag:s31], $0x4000  }
0x186: {  	[sflag:s31] =	ssyncset.done $0x0  }
0x187: {  	s1 =	rddreg [dreg:$0x19];
	[sflag:s31] =	ssyncadd.s32 $0xFFFFC000  }
0x188: {  	[hbm4b:s1+s2] =	stream.linear.scatter [tilespmem:s29], [sflag:$0xA], $0x4000, $0x38;
	[tilespmem:$0x1C000] =	vst v63  }
0x189: {  	_ =	swait.ge [sflag:s12], $0x4000  }
0x18a: {  	[sflag:s12] =	ssyncset.done $0x0  }
0x18b: {  	s29 =	rddreg [dreg:$0x1a];
	[sflag:s12] =	ssyncadd.s32 $0xFFFFC000  }
0x18c: {  	[tilespmem:s15], [sflag:$0x7] =	stream.linear.gather [hbm4b:s29+s2], $0x4000, $0x38;
	[tilespmem:$0x1C000] =	vst v63  }
0x18d: {  	_ =	swait.ge [sflag:s30], $0x4000  }
0x18e: {  	[sflag:s30] =	ssyncset.done $0x0  }
0x18f: {  	[sflag:s30] =	ssyncadd.s32 $0xFFFFC000  }
0x190: {  	[hbm4b:s20+s2] =	stream.linear.scatter [tilespmem:s26], [sflag:$0xB], $0x4000, $0x38;
	[tilespmem:$0x1C000] =	vst v63  }
0x191: {  	_ =	swait.ge [sflag:s6], $0x4000  }
0x192: {  	[sflag:s6] =	ssyncset.done $0x0  }
0x193: {  	[sflag:s6] =	ssyncadd.s32 $0xFFFFC000  }
0x194: {  	[tilespmem:s2], [sflag:$0x1] =	stream.linear.gather [hbm4b:s17+s2], $0x4000, $0x38;
	[tilespmem:$0x1C000] =	vst v63  }
0x195: {  	_ =	swait.ge [sflag:s28], $0x4000  }
0x196: {  	[sflag:s28] =	ssyncset.done $0x0  }
0x197: {  	[sflag:s28] =	ssyncadd.s32 $0xFFFFC000  }
0x198: {  	[hbm4b:s16+s2] =	stream.linear.scatter [tilespmem:s22], [sflag:$0xC], $0x4000, $0x38;
	[tilespmem:$0x1C000] =	vst v63  }
0x199: {  	_ =	swait.ge [sflag:s5], $0x4000  }
0x19a: {  	[sflag:s5] =	ssyncset.done $0x0  }
0x19b: {  	[sflag:s5] =	ssyncadd.s32 $0xFFFFC000  }
0x19c: {  	[tilespmem:s4], [sflag:$0x2] =	stream.linear.gather [hbm4b:s14+s2], $0x4000, $0x38;
	[tilespmem:$0x1C000] =	vst v63  }
0x19d: {  	_ =	swait.ge [sflag:s24], $0x4000  }
0x19e: {  	[sflag:s24] =	ssyncset.done $0x0  }
0x19f: {  	[sflag:s24] =	ssyncadd.s32 $0xFFFFC000  }
0x1a0: {  	[hbm4b:s11+s2] =	stream.linear.scatter [tilespmem:s19], [sflag:$0xD], $0x4000, $0x38;
	[tilespmem:$0x1C000] =	vst v63  }
0x1a1: {  	_ =	swait.ge [sflag:s25], $0x4000  }
0x1a2: {  	[sflag:s25] =	ssyncset.done $0x0  }
0x1a3: {  	[sflag:s25] =	ssyncadd.s32 $0xFFFFC000  }
0x1a4: {  	_ =	swait.ge [sflag:s23], $0x4000  }
0x1a5: {  	[sflag:s23] =	ssyncset.done $0x0  }
0x1a6: {  	[sflag:s23] =	ssyncadd.s32 $0xFFFFC000  }
0x1a7: {  	[hbm4b:s9+s2] =	stream.linear.scatter [tilespmem:s15], [sflag:$0xE], $0x4000, $0x38;
	[tilespmem:$0x1C000] =	vst v63  }
0x1a8: {  	_ =	swait.ge [sflag:s21], $0x4000  }
0x1a9: {  	[sflag:s21] =	ssyncset.done $0x0  }
0x1aa: {  	[sflag:s21] =	ssyncadd.s32 $0xFFFFC000  }
0x1ab: {  	_ =	swait.ge [sflag:s10], $0x4000  }
0x1ac: {  	[sflag:s10] =	ssyncset.done $0x0  }
0x1ad: {  	[sflag:s10] =	ssyncadd.s32 $0xFFFFC000  }
0x1ae: {  	[hbm4b:s7+s2] =	stream.linear.scatter [tilespmem:s2], [sflag:$0x8], $0x4000, $0x38;
	[tilespmem:$0x1C000] =	vst v63  }
0x1af: {  	_ =	swait.ge [sflag:s18], $0x4000  }
0x1b0: {  	[sflag:s18] =	ssyncset.done $0x0  }
0x1b1: {  	[sflag:s18] =	ssyncadd.s32 $0xFFFFC000  }
0x1b2: {  	_ =	swait.ge [sflag:s8], $0x4000  }
0x1b3: {  	[sflag:s8] =	ssyncset.done $0x0  }
0x1b4: {  	[sflag:s8] =	ssyncadd.s32 $0xFFFFC000  }
0x1b5: {  	[hbm4b:s3+s2] =	stream.linear.scatter [tilespmem:s4], [sflag:$0x9], $0x4000, $0x38;
	[tilespmem:$0x1C000] =	vst v63  }
0x1b6: {  	_ =	swait.ge [sflag:s13], $0x4000  }
0x1b7: {  	[sflag:s13] =	ssyncset.done $0x0  }
0x1b8: {  	[sflag:s13] =	ssyncadd.s32 $0xFFFFC000  }
0x1b9: {  	_ =	swait.ge [sflag:s12], $0x4000  }
0x1ba: {  	[sflag:s12] =	ssyncset.done $0x0  }
0x1bb: {  	[sflag:s12] =	ssyncadd.s32 $0xFFFFC000  }
0x1bc: {  	_ =	swait.ge [sflag:s6], $0x4000  }
0x1bd: {  	[sflag:s6] =	ssyncset.done $0x0  }
0x1be: {  	[sflag:s6] =	ssyncadd.s32 $0xFFFFC000  }
0x1bf: {  	_ =	swait.ge [sflag:s5], $0x4000  }
0x1c0: {  	[sflag:s5] =	ssyncset.done $0x0  }
0x1c1: {  	[sflag:s5] =	ssyncadd.s32 $0xFFFFC000  }
0x1c2: {  	_ =	sfence.sel $0x180000  }
0x1c3: {  	[bflag:$0x0] =	sbarrier.arrive $0xFFFF  }
0x1c4: {  	_ =	strace $0x90000047  }
0x1c5: {  	s31 =	stileid.u32;
	[bflag:$0x2] =	sbarrier.arrive $0xFFFF  }
0x1c6: {  	p0 =	sne.s32 s31, $0x0;
	s0 =	rddreg [dreg:$0x2]  }
0x1c7: {  	s0 =	sadd.s32 @!p0 $0x100000, s0  }
0x1c8: {  	[sflag:s0] =	ssyncadd.tile.s32 @!p0 $0x1;
	_ =	shalt  }
.Lfunc_end2:
_tile_overlayer_lowered:
.L_overlay_start_2:
0x1c9: {  	(tag) =	ssettag $0x2  }
0x1ca: {  	s0 =	rddreg [dreg:$0x0];
	s2 =	stileid.u32  }
0x1cb: {  	s1 =	rddreg [dreg:$0x1];
	p0 =	sne.s32 s2, $0x0  }
0x1cc: {  	s3 =	rddreg [dreg:$0x2];
	[bflag:$0x3] =	sbarrier.arrive $0xFFFF;
	s2 =	simm.s32 @!p0 $0x1C0F  }
0x1cd: {  	[timem:s3], [sflag:s2] =	dma.local @!p0 [hbm:s0], s1  }
0x1ce: {  	s0 =	simm.s32 @!p0 $0xF  }
0x1cf: {  	_ =	swait.ge @!p0 [sflag:s0], s1  }
0x1d0: {  	s1 =	ssub.s32 @!p0 $0x0, s1;
	[sflag:s0] =	ssyncset.done @!p0 $0x0  }
0x1d1: {  	[sflag:s0] =	ssyncadd.s32 @!p0 s1  }
0x1d2: {  	[bflag:$0x3] =	sbarrier.arrive $0xFFFF  }
0x1d3: {  	_ =	shalt  }

</sc_bundles>
